<compile_context>
chip_gen: v7x
topology: tpu7x:2x2x1
jax: 0.10.2.dev20260603
libtpu: 0.0.44.dev20260713+nightly
codegen_flags: <defaults>
</compile_context>

<pallas_src>
import functools

import jax
import jax.numpy as jnp
from jax import lax
from jax.experimental import pallas as pl
from jax.experimental.pallas import tpu as pltpu
from jax.experimental.pallas import tpu_sc as plsc

B = 1024
D = 1024
K = 65536
TOPK = 16

BK = 1024
NK = K // BK
NEG = -3.0e38


def _topk_body(cue_ref, pat_ref, w_ref, idx_ref, cue_n_ref, s_ref, rv_ref,
               ri_ref, th_ref, tc_ref):
    j = pl.program_id(0)

    @pl.when(j == 0)
    def _init():
        c = cue_ref[...]
        inv = lax.rsqrt(jnp.maximum(jnp.sum(c * c, axis=1, keepdims=True), 1e-24))
        cue_n_ref[...] = c * inv
        rv_ref[...] = jnp.full((B, TOPK), NEG, jnp.float32)
        ri_ref[...] = jnp.zeros((B, TOPK), jnp.int32)

    pat = pat_ref[...]
    s = lax.dot_general(cue_n_ref[...], pat, (((1,), (1,)), ((), ())),
                        preferred_element_type=jnp.float32)
    pn = jnp.sum(pat * pat, axis=1, keepdims=True)
    inv_pn = lax.rsqrt(jnp.maximum(pn, 1e-24))
    s_ref[...] = s * inv_pn.reshape(1, BK)

    col = lax.broadcasted_iota(jnp.int32, (B, BK), 1)
    lane = lax.broadcasted_iota(jnp.int32, (B, TOPK), 1)
    base = j * BK
    th_ref[...] = jnp.full((B, 1), jnp.inf, jnp.float32)
    tc_ref[...] = jnp.full((B, 1), -1, jnp.int32)

    def body(carry):
        it, _ = carry
        s_cur = s_ref[...]
        th_v = th_ref[...]
        th_c = tc_ref[...]
        elig = (s_cur < th_v) | ((s_cur == th_v) & (col > th_c))
        sm = jnp.where(elig, s_cur, NEG)
        m = jnp.max(sm, axis=1, keepdims=True)
        rv = rv_ref[...]
        rmin = jnp.min(rv, axis=1, keepdims=True)
        accept = m > rmin
        go = jnp.any(accept)

        @pl.when(go)
        def _extract():
            pos = jnp.min(jnp.where(sm == m, col, K), axis=1, keepdims=True)
            th_ref[...] = m
            tc_ref[...] = pos
            rpos = jnp.min(jnp.where(rv == rmin, lane, TOPK), axis=1,
                           keepdims=True)
            sel = accept & (lane == rpos)
            rv_ref[...] = jnp.where(sel, m, rv)
            ri_ref[...] = jnp.where(sel, base + pos, ri_ref[...])

        return it + 1, go

    def cond(carry):
        it, go = carry
        return (it < TOPK) & go

    lax.while_loop(cond, body, (0, True))

    @pl.when(j == NK - 1)
    def _fin():
        rv = rv_ref[...]
        mx = jnp.max(rv, axis=1, keepdims=True)
        e = jnp.exp(rv - mx)
        w = e / jnp.sum(e, axis=1, keepdims=True)
        w_ref[...] = jnp.broadcast_to(w[:, :, None], (B, TOPK, 16))
        idx_ref[...] = ri_ref[...]


def _topk_call(cue, pattern_store):
    return pl.pallas_call(
        _topk_body,
        grid=(NK,),
        in_specs=[
            pl.BlockSpec((B, D), lambda j: (0, 0)),
            pl.BlockSpec((BK, D), lambda j: (j, 0)),
        ],
        out_specs=[
            pl.BlockSpec((B, TOPK, 16), lambda j: (0, 0, 0)),
            pl.BlockSpec((B, TOPK), lambda j: (0, 0)),
        ],
        out_shape=[
            jax.ShapeDtypeStruct((B, TOPK, 16), jnp.float32),
            jax.ShapeDtypeStruct((B, TOPK), jnp.int32),
        ],
        scratch_shapes=[
            pltpu.VMEM((B, D), jnp.float32),
            pltpu.VMEM((B, BK), jnp.float32),
            pltpu.VMEM((B, TOPK), jnp.float32),
            pltpu.VMEM((B, TOPK), jnp.int32),
            pltpu.VMEM((B, 1), jnp.float32),
            pltpu.VMEM((B, 1), jnp.int32),
        ],
        compiler_params=pltpu.CompilerParams(
            dimension_semantics=("arbitrary",),
        ),
    )(cue, pattern_store)


def _gather_call(pattern_store, idx, w):
    info = plsc.get_sparse_core_info()
    nc, ns = info.num_cores, info.num_subcores
    nw = nc * ns
    q_per_w = B // nw
    nch = D // 16

    mesh = plsc.VectorSubcoreMesh(core_axis_name="c", subcore_axis_name="s")

    @functools.partial(
        pl.kernel,
        mesh=mesh,
        out_type=jax.ShapeDtypeStruct((B, D), jnp.float32),
        scratch_types=[
            pltpu.VMEM((q_per_w, TOPK), jnp.int32),
            pltpu.VMEM((q_per_w, TOPK, 16), jnp.float32),
            pltpu.VMEM((2, TOPK, D), jnp.float32),
            pltpu.VMEM((2, D), jnp.float32),
            pltpu.SemaphoreType.DMA,
            pltpu.SemaphoreType.DMA,
        ],
    )
    def k(pat_hbm, idx_hbm, w_hbm, out_hbm, idxs_v, ws_v, rows_v, outs_v,
          gsem, osem):
        wid = lax.axis_index("s") * nc + lax.axis_index("c")
        qbase = wid * q_per_w
        pltpu.sync_copy(idx_hbm.at[pl.ds(qbase, q_per_w)], idxs_v)
        pltpu.sync_copy(w_hbm.at[pl.ds(qbase, q_per_w)], ws_v)

        def gather(q, buf):
            return pltpu.make_async_copy(pat_hbm.at[idxs_v.at[q]],
                                         rows_v.at[buf], gsem)

        def outcopy(q, buf):
            return pltpu.make_async_copy(outs_v.at[buf],
                                         out_hbm.at[qbase + q], osem)

        gather(0, 0).start()

        def q_loop(q, _):
            buf = lax.rem(q, 2)

            @pl.when(q + 1 < q_per_w)
            def _prefetch():
                gather(q + 1, 1 - buf).start()

            gather(q, buf).wait()

            @pl.when(q >= 2)
            def _drain():
                outcopy(q - 2, buf).wait()

            def c_loop(c, _):
                acc = rows_v[buf, 0, pl.ds(c * 16, 16)] * ws_v[q, 0, :]
                for t in range(1, TOPK):
                    acc = acc + rows_v[buf, t, pl.ds(c * 16, 16)] * ws_v[q, t, :]
                outs_v[buf, pl.ds(c * 16, 16)] = acc
                return 0

            lax.fori_loop(0, nch, c_loop, 0)
            outcopy(q, buf).start()
            return 0

        lax.fori_loop(0, q_per_w, q_loop, 0)
        outcopy(q_per_w - 2, 0).wait()
        outcopy(q_per_w - 1, 1).wait()

    return k(pattern_store, idx, w)


def _gate_body(cue_ref, ret_ref, wg_ref, bg_ref, wr_ref, out_ref):
    c = cue_ref[...]
    r = ret_ref[...]
    dn = (((1,), (1,)), ((), ()))
    g = lax.dot_general(c, wg_ref[:, 0:D], dn, preferred_element_type=jnp.float32)
    g += lax.dot_general(r, wg_ref[:, D:2 * D], dn, preferred_element_type=jnp.float32)
    gate = jax.nn.sigmoid(g + bg_ref[...])
    h = jnp.tanh(gate * r)
    out_ref[...] = lax.dot_general(h, wr_ref[...], dn,
                                   preferred_element_type=jnp.float32)


def _gate_call(cue, retrieved, Wg, bg2d, Wr):
    bm = 256
    return pl.pallas_call(
        _gate_body,
        grid=(B // bm,),
        in_specs=[
            pl.BlockSpec((bm, D), lambda i: (i, 0)),
            pl.BlockSpec((bm, D), lambda i: (i, 0)),
            pl.BlockSpec((D, 2 * D), lambda i: (0, 0)),
            pl.BlockSpec((1, D), lambda i: (0, 0)),
            pl.BlockSpec((D, D), lambda i: (0, 0)),
        ],
        out_specs=pl.BlockSpec((bm, D), lambda i: (i, 0)),
        out_shape=jax.ShapeDtypeStruct((B, D), jnp.float32),
        compiler_params=pltpu.CompilerParams(
            dimension_semantics=("arbitrary",),
        ),
    )(cue, retrieved, Wg, bg2d, Wr)


def kernel(cue, pattern_store, Wg, bg, Wr):
    w, idx = _topk_call(cue, pattern_store)
    retrieved = _gather_call(pattern_store, idx, w)
    return _gate_call(cue, retrieved, Wg, bg.reshape(1, D), Wr)

# --- scband reference (transcript-rebuilt; emitter-appended) ---
"""Pipeline reference for scband-hebbian-memory-66185446031744 (READ-ONLY COPY).

The authoritative reference and input builder live on the scoring server;
editing this copy changes nothing except your own understanding.
"""

import jax, jax.numpy as jnp
import numpy as np

B = 1024      # number of query cues
D = 1024      # d_state
K = 65536     # hebbian_size (capacity, assumed full: n_stored >= capacity)
TOPK = 16     # selective_top_k


def setup_inputs(seed: int = 0) -> dict:
    key = jax.random.key(seed)
    k1, k2, k3, k4 = jax.random.split(key, 4)
    cue = jax.random.normal(k1, (B, D), dtype=jnp.float32)
    # pattern_store holds L2-normalized patterns (store() normalizes before writing)
    raw = jax.random.normal(k2, (K, D), dtype=jnp.float32)
    pattern_store = raw / jnp.clip(jnp.linalg.norm(raw, axis=-1, keepdims=True), 1e-12)
    # selective_gate: nn.Linear(2*D, D) -> weight [D, 2D], bias [D]
    Wg = (jax.random.normal(k3, (D, 2 * D), dtype=jnp.float32) / np.sqrt(2 * D)).astype(jnp.float32)
    bg = jnp.zeros((D,), dtype=jnp.float32)
    # readout_proj: nn.Linear(D, D, bias=False) -> weight [D, D]
    Wr = (jax.random.normal(k4, (D, D), dtype=jnp.float32) / np.sqrt(D)).astype(jnp.float32)
    return {"cue": cue, "pattern_store": pattern_store, "Wg": Wg, "bg": bg, "Wr": Wr}


def reference(cue, pattern_store, Wg, bg, Wr):
    # HebbianMemory.selective_recall with n_valid == capacity (memory full)
    cue_norm = cue / jnp.clip(jnp.linalg.norm(cue, axis=-1, keepdims=True), 1e-12)
    pat_norm = pattern_store / jnp.clip(jnp.linalg.norm(pattern_store, axis=-1, keepdims=True), 1e-12)
    similarity = cue_norm @ pat_norm.T                      # [B, K]
    top_vals, top_idx = jax.lax.top_k(similarity, TOPK)     # [B, k]
    weights = jax.nn.softmax(top_vals, axis=-1)             # [B, k]
    selected = jnp.take(pattern_store, top_idx, axis=0)     # [B, k, D]  (_batch_select)
    retrieved = jnp.sum(weights[..., None] * selected, axis=-2)  # [B, D]
    gate_input = jnp.concatenate([cue, retrieved], axis=-1)      # [B, 2D]
    gate = jax.nn.sigmoid(gate_input @ Wg.T + bg)                # [B, D]
    out = jnp.tanh(gate * retrieved) @ Wr.T                      # readout_proj
    return out

if __name__ == "__main__":
    import jax
    _d = setup_inputs()
    print(jax.jit(kernel)(*tuple(_d.values())))

</pallas_src>

<mosaic_0001>
#map = affine_map<(d0, d1) -> (0, 0)>
#map1 = affine_map<(d0, d1) -> (0, 0, 0)>
module attributes {stable_mosaic.version = 14 : i64} {
  func.func @k(%arg0: i32, %arg1: i32, %arg2: memref<65536x1024xf32, #tpu.memory_space<hbm>>, %arg3: memref<1024x16xi32, #tpu.memory_space<hbm>>, %arg4: memref<1024x16x16xf32, #tpu.memory_space<hbm>>, %arg5: memref<1024x1024xf32, #tpu.memory_space<hbm>>, %arg6: memref<32x16xi32, #tpu.memory_space<vmem>>, %arg7: memref<32x16x16xf32, #tpu.memory_space<vmem>>, %arg8: memref<2x16x1024xf32, #tpu.memory_space<vmem>>, %arg9: memref<2x1024xf32, #tpu.memory_space<vmem>>, %arg10: memref<!tpu.dma_semaphore, #tpu.memory_space<semaphore_mem>>, %arg11: memref<!tpu.dma_semaphore, #tpu.memory_space<semaphore_mem>>) attributes {dimension_semantics = [#tpu.dimension_semantics<core_parallel>, #tpu.dimension_semantics<subcore_parallel>], iteration_bounds = array<i64: 2, 16>, scalar_prefetch = 0 : i64, scratch_operands = 6 : i64, tpu.core_type = #tpu.core_type<sc_vector_subcore>, window_params = [{transform_indices = #map}, {transform_indices = #map}, {transform_indices = #map1}, {transform_indices = #map}]} {
    %mul3A = arith.constant 2 : i32
    %mul3A_0 = arith.muli %arg1, %mul3A : i32
    %add3A = arith.addi %mul3A_0, %arg0 : i32
    %mul3A_1 = arith.constant 32 : i32
    %mul3A_2 = arith.muli %add3A, %mul3A_1 : i32
    "tpu.region"() ({
      %run_scoped3A = tpu.sem_alloc : memref<!tpu.dma_semaphore, #tpu.memory_space<semaphore_mem>>
      %dma_start3A_49 = arith.constant 0 : i32
      %dma_start3A_50 = tpu.memref_slice %arg3[%mul3A_2, %dma_start3A_49] : memref<1024x16xi32, #tpu.memory_space<hbm>> -> memref<32x16xi32, #tpu.memory_space<hbm>>
      %dma_start3A_51 = arith.constant 0 : i32
      %dma_start3A_52 = tpu.memref_slice %arg3[%mul3A_2, %dma_start3A_51] : memref<1024x16xi32, #tpu.memory_space<hbm>> -> memref<32x16xi32, #tpu.memory_space<hbm>>
      tpu.enqueue_dma source(%dma_start3A_52 : memref<32x16xi32, #tpu.memory_space<hbm>>) target(%arg6 : memref<32x16xi32, #tpu.memory_space<vmem>>) target_semaphore(%run_scoped3A : memref<!tpu.dma_semaphore, #tpu.memory_space<semaphore_mem>>)
      %dma_wait3A_53 = arith.constant 0 : i32
      %dma_wait3A_54 = tpu.memref_slice %arg3[%mul3A_2, %dma_wait3A_53] : memref<1024x16xi32, #tpu.memory_space<hbm>> -> memref<32x16xi32, #tpu.memory_space<hbm>>
      %dma_wait3A_55 = arith.constant 0 : i32
      %dma_wait3A_56 = tpu.memref_slice %arg3[%mul3A_2, %dma_wait3A_55] : memref<1024x16xi32, #tpu.memory_space<hbm>> -> memref<32x16xi32, #tpu.memory_space<hbm>>
      tpu.wait_dma2 semaphore(%run_scoped3A : memref<!tpu.dma_semaphore, #tpu.memory_space<semaphore_mem>>) src(%dma_wait3A_56 : memref<32x16xi32, #tpu.memory_space<hbm>>) dst(%arg6 : memref<32x16xi32, #tpu.memory_space<vmem>>)
      tpu.yield
    }) : () -> ()
    "tpu.region"() ({
      %run_scoped3A = tpu.sem_alloc : memref<!tpu.dma_semaphore, #tpu.memory_space<semaphore_mem>>
      %dma_start3A_49 = arith.constant 0 : i32
      %dma_start3A_50 = arith.constant 0 : i32
      %dma_start3A_51 = tpu.memref_slice %arg4[%mul3A_2, %dma_start3A_49, %dma_start3A_50] : memref<1024x16x16xf32, #tpu.memory_space<hbm>> -> memref<32x16x16xf32, #tpu.memory_space<hbm>>
      %dma_start3A_52 = arith.constant 0 : i32
      %dma_start3A_53 = arith.constant 0 : i32
      %dma_start3A_54 = tpu.memref_slice %arg4[%mul3A_2, %dma_start3A_52, %dma_start3A_53] : memref<1024x16x16xf32, #tpu.memory_space<hbm>> -> memref<32x16x16xf32, #tpu.memory_space<hbm>>
      tpu.enqueue_dma source(%dma_start3A_54 : memref<32x16x16xf32, #tpu.memory_space<hbm>>) target(%arg7 : memref<32x16x16xf32, #tpu.memory_space<vmem>>) target_semaphore(%run_scoped3A : memref<!tpu.dma_semaphore, #tpu.memory_space<semaphore_mem>>)
      %dma_wait3A_55 = arith.constant 0 : i32
      %dma_wait3A_56 = arith.constant 0 : i32
      %dma_wait3A_57 = tpu.memref_slice %arg4[%mul3A_2, %dma_wait3A_55, %dma_wait3A_56] : memref<1024x16x16xf32, #tpu.memory_space<hbm>> -> memref<32x16x16xf32, #tpu.memory_space<hbm>>
      %dma_wait3A_58 = arith.constant 0 : i32
      %dma_wait3A_59 = arith.constant 0 : i32
      %dma_wait3A_60 = tpu.memref_slice %arg4[%mul3A_2, %dma_wait3A_58, %dma_wait3A_59] : memref<1024x16x16xf32, #tpu.memory_space<hbm>> -> memref<32x16x16xf32, #tpu.memory_space<hbm>>
      tpu.wait_dma2 semaphore(%run_scoped3A : memref<!tpu.dma_semaphore, #tpu.memory_space<semaphore_mem>>) src(%dma_wait3A_60 : memref<32x16x16xf32, #tpu.memory_space<hbm>>) dst(%arg7 : memref<32x16x16xf32, #tpu.memory_space<vmem>>)
      tpu.yield
    }) : () -> ()
    %dma_start3A = arith.constant 0 : i32
    %dma_start3A_3 = arith.constant 0 : i32
    %dma_start3A_4 = arith.constant 0 : i32
    %dma_start3A_5 = arith.constant 0 : i32
    %dma_start3A_6 = tpu.memref_slice %arg8[%dma_start3A_3, %dma_start3A_4, %dma_start3A_5] : memref<2x16x1024xf32, #tpu.memory_space<vmem>> -> memref<1x16x1024xf32, #tpu.memory_space<vmem>>
    %dma_start3A_7 = tpu.memref_squeeze %dma_start3A_6 : memref<1x16x1024xf32, #tpu.memory_space<vmem>> -> memref<16x1024xf32, #tpu.memory_space<vmem>>
    %dma_start3A_8 = arith.constant 0 : i32
    %dma_start3A_9 = tpu.memref_slice %arg6[%dma_start3A, %dma_start3A_8] : memref<32x16xi32, #tpu.memory_space<vmem>> -> memref<1x16xi32, #tpu.memory_space<vmem>>
    %dma_start3A_10 = tpu.memref_squeeze %dma_start3A_9 : memref<1x16xi32, #tpu.memory_space<vmem>> -> memref<16xi32, #tpu.memory_space<vmem>>
    %dma_start3A_11 = arith.constant 0 : i32
    %dma_start3A_12 = arith.constant 0 : i32
    %dma_start3A_13 = tpu.memref_slice %arg2[%dma_start3A_11, %dma_start3A_12] : memref<65536x1024xf32, #tpu.memory_space<hbm>> -> memref<65536x1024xf32, #tpu.memory_space<hbm>>
    tpu.enqueue_indirect_dma source(%dma_start3A_13 : memref<65536x1024xf32, #tpu.memory_space<hbm>>) target(%dma_start3A_7 : memref<16x1024xf32, #tpu.memory_space<vmem>>) offsets(%dma_start3A_10 : memref<16xi32, #tpu.memory_space<vmem>>) semaphore(%arg10 : memref<!tpu.dma_semaphore, #tpu.memory_space<semaphore_mem>>)
    %scan3A = arith.constant 0 : i32
    %scan3A_14 = arith.constant 0 : i32
    %scan3A_15 = arith.constant 32 : i32
    %scan3A_16 = arith.addi %scan3A_14, %scan3A_15 : i32
    %scan3A_17 = arith.constant 1 : i32
    %scan3A_18 = scf.for %scan3A_49 = %scan3A_14 to %scan3A_16 step %scan3A_17 iter_args(%scan3A_50 = %scan3A) -> (i32)  : i32 {
      %rem3A = arith.constant 2 : i32
      %rem3A_51 = arith.remsi %scan3A_49, %rem3A : i32
      %add3A_52 = arith.constant 1 : i32
      %add3A_53 = arith.addi %scan3A_49, %add3A_52 : i32
      %lt3A = arith.constant 32 : i32
      %lt3A_54 = arith.cmpi slt, %add3A_53, %lt3A : i32
      %convert_element_type3A = arith.extui %lt3A_54 : i1 to i32
      %cond3A = arith.constant 0 : i32
      %cond3A_55 = arith.cmpi ne, %convert_element_type3A, %cond3A : i32
      scf.if %cond3A_55 {
        %add3A_91 = arith.constant 1 : i32
        %add3A_92 = arith.addi %scan3A_49, %add3A_91 : i32
        %sub3A = arith.constant 1 : i32
        %sub3A_93 = arith.subi %sub3A, %rem3A_51 : i32
        %dma_start3A_94 = arith.constant 0 : i32
        %dma_start3A_95 = arith.constant 0 : i32
        %dma_start3A_96 = tpu.memref_slice %arg8[%sub3A_93, %dma_start3A_94, %dma_start3A_95] : memref<2x16x1024xf32, #tpu.memory_space<vmem>> -> memref<1x16x1024xf32, #tpu.memory_space<vmem>>
        %dma_start3A_97 = tpu.memref_squeeze %dma_start3A_96 : memref<1x16x1024xf32, #tpu.memory_space<vmem>> -> memref<16x1024xf32, #tpu.memory_space<vmem>>
        %dma_start3A_98 = arith.constant 0 : i32
        %dma_start3A_99 = tpu.memref_slice %arg6[%add3A_92, %dma_start3A_98] : memref<32x16xi32, #tpu.memory_space<vmem>> -> memref<1x16xi32, #tpu.memory_space<vmem>>
        %dma_start3A_100 = tpu.memref_squeeze %dma_start3A_99 : memref<1x16xi32, #tpu.memory_space<vmem>> -> memref<16xi32, #tpu.memory_space<vmem>>
        %dma_start3A_101 = arith.constant 0 : i32
        %dma_start3A_102 = arith.constant 0 : i32
        %dma_start3A_103 = tpu.memref_slice %arg2[%dma_start3A_101, %dma_start3A_102] : memref<65536x1024xf32, #tpu.memory_space<hbm>> -> memref<65536x1024xf32, #tpu.memory_space<hbm>>
        tpu.enqueue_indirect_dma source(%dma_start3A_103 : memref<65536x1024xf32, #tpu.memory_space<hbm>>) target(%dma_start3A_97 : memref<16x1024xf32, #tpu.memory_space<vmem>>) offsets(%dma_start3A_100 : memref<16xi32, #tpu.memory_space<vmem>>) semaphore(%arg10 : memref<!tpu.dma_semaphore, #tpu.memory_space<semaphore_mem>>)
      } else {
      }
      %dma_wait3A_56 = arith.constant 0 : i32
      %dma_wait3A_57 = arith.constant 0 : i32
      %dma_wait3A_58 = tpu.memref_slice %arg8[%rem3A_51, %dma_wait3A_56, %dma_wait3A_57] : memref<2x16x1024xf32, #tpu.memory_space<vmem>> -> memref<1x16x1024xf32, #tpu.memory_space<vmem>>
      %dma_wait3A_59 = tpu.memref_squeeze %dma_wait3A_58 : memref<1x16x1024xf32, #tpu.memory_space<vmem>> -> memref<16x1024xf32, #tpu.memory_space<vmem>>
      %dma_wait3A_60 = arith.constant 0 : i32
      %dma_wait3A_61 = tpu.memref_slice %arg6[%scan3A_49, %dma_wait3A_60] : memref<32x16xi32, #tpu.memory_space<vmem>> -> memref<1x16xi32, #tpu.memory_space<vmem>>
      %dma_wait3A_62 = tpu.memref_squeeze %dma_wait3A_61 : memref<1x16xi32, #tpu.memory_space<vmem>> -> memref<16xi32, #tpu.memory_space<vmem>>
      %dma_wait3A_63 = arith.constant 0 : i32
      %dma_wait3A_64 = arith.constant 0 : i32
      %dma_wait3A_65 = tpu.memref_slice %arg2[%dma_wait3A_63, %dma_wait3A_64] : memref<65536x1024xf32, #tpu.memory_space<hbm>> -> memref<65536x1024xf32, #tpu.memory_space<hbm>>
      tpu.wait_indirect_dma semaphore(%arg10 : memref<!tpu.dma_semaphore, #tpu.memory_space<semaphore_mem>>) src(%dma_wait3A_65 : memref<65536x1024xf32, #tpu.memory_space<hbm>>) dst(%dma_wait3A_59 : memref<16x1024xf32, #tpu.memory_space<vmem>>)
      %ge3A = arith.constant 2 : i32
      %ge3A_66 = arith.cmpi sge, %scan3A_49, %ge3A : i32
      %convert_element_type3A_67 = arith.extui %ge3A_66 : i1 to i32
      %cond3A_68 = arith.constant 0 : i32
      %cond3A_69 = arith.cmpi ne, %convert_element_type3A_67, %cond3A_68 : i32
      scf.if %cond3A_69 {
        %sub3A = arith.constant 2 : i32
        %sub3A_91 = arith.subi %scan3A_49, %sub3A : i32
        %add3A_92 = arith.addi %mul3A_2, %sub3A_91 : i32
        %dma_wait3A_93 = arith.constant 0 : i32
        %dma_wait3A_94 = tpu.memref_slice %arg9[%rem3A_51, %dma_wait3A_93] : memref<2x1024xf32, #tpu.memory_space<vmem>> -> memref<1x1024xf32, #tpu.memory_space<vmem>>
        %dma_wait3A_95 = tpu.memref_squeeze %dma_wait3A_94 : memref<1x1024xf32, #tpu.memory_space<vmem>> -> memref<1024xf32, #tpu.memory_space<vmem>>
        %dma_wait3A_96 = arith.constant 0 : i32
        %dma_wait3A_97 = tpu.memref_slice %arg5[%add3A_92, %dma_wait3A_96] : memref<1024x1024xf32, #tpu.memory_space<hbm>> -> memref<1x1024xf32, #tpu.memory_space<hbm>>
        %dma_wait3A_98 = tpu.memref_squeeze %dma_wait3A_97 : memref<1x1024xf32, #tpu.memory_space<hbm>> -> memref<1024xf32, #tpu.memory_space<hbm>>
        %dma_wait3A_99 = arith.constant 0 : i32
        %dma_wait3A_100 = tpu.memref_slice %arg5[%add3A_92, %dma_wait3A_99] : memref<1024x1024xf32, #tpu.memory_space<hbm>> -> memref<1x1024xf32, #tpu.memory_space<hbm>>
        %dma_wait3A_101 = tpu.memref_squeeze %dma_wait3A_100 : memref<1x1024xf32, #tpu.memory_space<hbm>> -> memref<1024xf32, #tpu.memory_space<hbm>>
        %dma_wait3A_102 = arith.constant 0 : i32
        %dma_wait3A_103 = tpu.memref_slice %arg9[%rem3A_51, %dma_wait3A_102] : memref<2x1024xf32, #tpu.memory_space<vmem>> -> memref<1x1024xf32, #tpu.memory_space<vmem>>
        %dma_wait3A_104 = tpu.memref_squeeze %dma_wait3A_103 : memref<1x1024xf32, #tpu.memory_space<vmem>> -> memref<1024xf32, #tpu.memory_space<vmem>>
        tpu.wait_dma2 semaphore(%arg11 : memref<!tpu.dma_semaphore, #tpu.memory_space<semaphore_mem>>) src(%dma_wait3A_104 : memref<1024xf32, #tpu.memory_space<vmem>>) dst(%dma_wait3A_101 : memref<1024xf32, #tpu.memory_space<hbm>>)
      } else {
      }
      %scan3A_70 = arith.constant 0 : i32
      %scan3A_71 = arith.constant 0 : i32
      %scan3A_72 = arith.constant 64 : i32
      %scan3A_73 = arith.addi %scan3A_71, %scan3A_72 : i32
      %scan3A_74 = arith.constant 1 : i32
      %scan3A_75 = scf.for %scan3A_91 = %scan3A_71 to %scan3A_73 step %scan3A_74 iter_args(%scan3A_92 = %scan3A_70) -> (i32)  : i32 {
        %mul3A_93 = arith.constant 16 : i32
        %mul3A_94 = arith.muli %scan3A_91, %mul3A_93 : i32
        %get3A = arith.constant 0 : i32
        %get3A_95 = arith.index_cast %rem3A_51 : i32 to index
        %get3A_96 = arith.index_cast %get3A : i32 to index
        %get3A_97 = arith.index_cast %mul3A_94 : i32 to index
        %get3A_98 = tpu.vector_load %arg8[%get3A_95, %get3A_96, %get3A_97] {strides = array<i32>} : memref<2x16x1024xf32, #tpu.memory_space<vmem>>, vector<1x1x16xf32>,
        %get3A_99 = vector.shape_cast %get3A_98 : vector<1x1x16xf32> to vector<16xf32>
        %get3A_100 = arith.constant 0 : i32
        %get3A_101 = arith.index_cast %scan3A_49 : i32 to index
        %get3A_102 = arith.index_cast %get3A_100 : i32 to index
        %get3A_103 = arith.constant 0 : index
        %get3A_104 = tpu.vector_load %arg7[%get3A_101, %get3A_102, %get3A_103] {strides = array<i32>} : memref<32x16x16xf32, #tpu.memory_space<vmem>>, vector<1x1x16xf32>,
        %get3A_105 = vector.shape_cast %get3A_104 : vector<1x1x16xf32> to vector<16xf32>
        %mul3A_106 = arith.mulf %get3A_99, %get3A_105 : vector<16xf32>
        %mul3A_107 = arith.constant 16 : i32
        %mul3A_108 = arith.muli %scan3A_91, %mul3A_107 : i32
        %get3A_109 = arith.constant 1 : i32
        %get3A_110 = arith.index_cast %rem3A_51 : i32 to index
        %get3A_111 = arith.index_cast %get3A_109 : i32 to index
        %get3A_112 = arith.index_cast %mul3A_108 : i32 to index
        %get3A_113 = tpu.vector_load %arg8[%get3A_110, %get3A_111, %get3A_112] {strides = array<i32>} : memref<2x16x1024xf32, #tpu.memory_space<vmem>>, vector<1x1x16xf32>,
        %get3A_114 = vector.shape_cast %get3A_113 : vector<1x1x16xf32> to vector<16xf32>
        %get3A_115 = arith.constant 1 : i32
        %get3A_116 = arith.index_cast %scan3A_49 : i32 to index
        %get3A_117 = arith.index_cast %get3A_115 : i32 to index
        %get3A_118 = arith.constant 0 : index
        %get3A_119 = tpu.vector_load %arg7[%get3A_116, %get3A_117, %get3A_118] {strides = array<i32>} : memref<32x16x16xf32, #tpu.memory_space<vmem>>, vector<1x1x16xf32>,
        %get3A_120 = vector.shape_cast %get3A_119 : vector<1x1x16xf32> to vector<16xf32>
        %mul3A_121 = arith.mulf %get3A_114, %get3A_120 : vector<16xf32>
        %add3A_122 = arith.addf %mul3A_106, %mul3A_121 : vector<16xf32>
        %mul3A_123 = arith.constant 16 : i32
        %mul3A_124 = arith.muli %scan3A_91, %mul3A_123 : i32
        %get3A_125 = arith.constant 2 : i32
        %get3A_126 = arith.index_cast %rem3A_51 : i32 to index
        %get3A_127 = arith.index_cast %get3A_125 : i32 to index
        %get3A_128 = arith.index_cast %mul3A_124 : i32 to index
        %get3A_129 = tpu.vector_load %arg8[%get3A_126, %get3A_127, %get3A_128] {strides = array<i32>} : memref<2x16x1024xf32, #tpu.memory_space<vmem>>, vector<1x1x16xf32>,
        %get3A_130 = vector.shape_cast %get3A_129 : vector<1x1x16xf32> to vector<16xf32>
        %get3A_131 = arith.constant 2 : i32
        %get3A_132 = arith.index_cast %scan3A_49 : i32 to index
        %get3A_133 = arith.index_cast %get3A_131 : i32 to index
        %get3A_134 = arith.constant 0 : index
        %get3A_135 = tpu.vector_load %arg7[%get3A_132, %get3A_133, %get3A_134] {strides = array<i32>} : memref<32x16x16xf32, #tpu.memory_space<vmem>>, vector<1x1x16xf32>,
        %get3A_136 = vector.shape_cast %get3A_135 : vector<1x1x16xf32> to vector<16xf32>
        %mul3A_137 = arith.mulf %get3A_130, %get3A_136 : vector<16xf32>
        %add3A_138 = arith.addf %add3A_122, %mul3A_137 : vector<16xf32>
        %mul3A_139 = arith.constant 16 : i32
        %mul3A_140 = arith.muli %scan3A_91, %mul3A_139 : i32
        %get3A_141 = arith.constant 3 : i32
        %get3A_142 = arith.index_cast %rem3A_51 : i32 to index
        %get3A_143 = arith.index_cast %get3A_141 : i32 to index
        %get3A_144 = arith.index_cast %mul3A_140 : i32 to index
        %get3A_145 = tpu.vector_load %arg8[%get3A_142, %get3A_143, %get3A_144] {strides = array<i32>} : memref<2x16x1024xf32, #tpu.memory_space<vmem>>, vector<1x1x16xf32>,
        %get3A_146 = vector.shape_cast %get3A_145 : vector<1x1x16xf32> to vector<16xf32>
        %get3A_147 = arith.constant 3 : i32
        %get3A_148 = arith.index_cast %scan3A_49 : i32 to index
        %get3A_149 = arith.index_cast %get3A_147 : i32 to index
        %get3A_150 = arith.constant 0 : index
        %get3A_151 = tpu.vector_load %arg7[%get3A_148, %get3A_149, %get3A_150] {strides = array<i32>} : memref<32x16x16xf32, #tpu.memory_space<vmem>>, vector<1x1x16xf32>,
        %get3A_152 = vector.shape_cast %get3A_151 : vector<1x1x16xf32> to vector<16xf32>
        %mul3A_153 = arith.mulf %get3A_146, %get3A_152 : vector<16xf32>
        %add3A_154 = arith.addf %add3A_138, %mul3A_153 : vector<16xf32>
        %mul3A_155 = arith.constant 16 : i32
        %mul3A_156 = arith.muli %scan3A_91, %mul3A_155 : i32
        %get3A_157 = arith.constant 4 : i32
        %get3A_158 = arith.index_cast %rem3A_51 : i32 to index
        %get3A_159 = arith.index_cast %get3A_157 : i32 to index
        %get3A_160 = arith.index_cast %mul3A_156 : i32 to index
        %get3A_161 = tpu.vector_load %arg8[%get3A_158, %get3A_159, %get3A_160] {strides = array<i32>} : memref<2x16x1024xf32, #tpu.memory_space<vmem>>, vector<1x1x16xf32>,
        %get3A_162 = vector.shape_cast %get3A_161 : vector<1x1x16xf32> to vector<16xf32>
        %get3A_163 = arith.constant 4 : i32
        %get3A_164 = arith.index_cast %scan3A_49 : i32 to index
        %get3A_165 = arith.index_cast %get3A_163 : i32 to index
        %get3A_166 = arith.constant 0 : index
        %get3A_167 = tpu.vector_load %arg7[%get3A_164, %get3A_165, %get3A_166] {strides = array<i32>} : memref<32x16x16xf32, #tpu.memory_space<vmem>>, vector<1x1x16xf32>,
        %get3A_168 = vector.shape_cast %get3A_167 : vector<1x1x16xf32> to vector<16xf32>
        %mul3A_169 = arith.mulf %get3A_162, %get3A_168 : vector<16xf32>
        %add3A_170 = arith.addf %add3A_154, %mul3A_169 : vector<16xf32>
        %mul3A_171 = arith.constant 16 : i32
        %mul3A_172 = arith.muli %scan3A_91, %mul3A_171 : i32
        %get3A_173 = arith.constant 5 : i32
        %get3A_174 = arith.index_cast %rem3A_51 : i32 to index
        %get3A_175 = arith.index_cast %get3A_173 : i32 to index
        %get3A_176 = arith.index_cast %mul3A_172 : i32 to index
        %get3A_177 = tpu.vector_load %arg8[%get3A_174, %get3A_175, %get3A_176] {strides = array<i32>} : memref<2x16x1024xf32, #tpu.memory_space<vmem>>, vector<1x1x16xf32>,
        %get3A_178 = vector.shape_cast %get3A_177 : vector<1x1x16xf32> to vector<16xf32>
        %get3A_179 = arith.constant 5 : i32
        %get3A_180 = arith.index_cast %scan3A_49 : i32 to index
        %get3A_181 = arith.index_cast %get3A_179 : i32 to index
        %get3A_182 = arith.constant 0 : index
        %get3A_183 = tpu.vector_load %arg7[%get3A_180, %get3A_181, %get3A_182] {strides = array<i32>} : memref<32x16x16xf32, #tpu.memory_space<vmem>>, vector<1x1x16xf32>,
        %get3A_184 = vector.shape_cast %get3A_183 : vector<1x1x16xf32> to vector<16xf32>
        %mul3A_185 = arith.mulf %get3A_178, %get3A_184 : vector<16xf32>
        %add3A_186 = arith.addf %add3A_170, %mul3A_185 : vector<16xf32>
        %mul3A_187 = arith.constant 16 : i32
        %mul3A_188 = arith.muli %scan3A_91, %mul3A_187 : i32
        %get3A_189 = arith.constant 6 : i32
        %get3A_190 = arith.index_cast %rem3A_51 : i32 to index
        %get3A_191 = arith.index_cast %get3A_189 : i32 to index
        %get3A_192 = arith.index_cast %mul3A_188 : i32 to index
        %get3A_193 = tpu.vector_load %arg8[%get3A_190, %get3A_191, %get3A_192] {strides = array<i32>} : memref<2x16x1024xf32, #tpu.memory_space<vmem>>, vector<1x1x16xf32>,
        %get3A_194 = vector.shape_cast %get3A_193 : vector<1x1x16xf32> to vector<16xf32>
        %get3A_195 = arith.constant 6 : i32
        %get3A_196 = arith.index_cast %scan3A_49 : i32 to index
        %get3A_197 = arith.index_cast %get3A_195 : i32 to index
        %get3A_198 = arith.constant 0 : index
        %get3A_199 = tpu.vector_load %arg7[%get3A_196, %get3A_197, %get3A_198] {strides = array<i32>} : memref<32x16x16xf32, #tpu.memory_space<vmem>>, vector<1x1x16xf32>,
        %get3A_200 = vector.shape_cast %get3A_199 : vector<1x1x16xf32> to vector<16xf32>
        %mul3A_201 = arith.mulf %get3A_194, %get3A_200 : vector<16xf32>
        %add3A_202 = arith.addf %add3A_186, %mul3A_201 : vector<16xf32>
        %mul3A_203 = arith.constant 16 : i32
        %mul3A_204 = arith.muli %scan3A_91, %mul3A_203 : i32
        %get3A_205 = arith.constant 7 : i32
        %get3A_206 = arith.index_cast %rem3A_51 : i32 to index
        %get3A_207 = arith.index_cast %get3A_205 : i32 to index
        %get3A_208 = arith.index_cast %mul3A_204 : i32 to index
        %get3A_209 = tpu.vector_load %arg8[%get3A_206, %get3A_207, %get3A_208] {strides = array<i32>} : memref<2x16x1024xf32, #tpu.memory_space<vmem>>, vector<1x1x16xf32>,
        %get3A_210 = vector.shape_cast %get3A_209 : vector<1x1x16xf32> to vector<16xf32>
        %get3A_211 = arith.constant 7 : i32
        %get3A_212 = arith.index_cast %scan3A_49 : i32 to index
        %get3A_213 = arith.index_cast %get3A_211 : i32 to index
        %get3A_214 = arith.constant 0 : index
        %get3A_215 = tpu.vector_load %arg7[%get3A_212, %get3A_213, %get3A_214] {strides = array<i32>} : memref<32x16x16xf32, #tpu.memory_space<vmem>>, vector<1x1x16xf32>,
        %get3A_216 = vector.shape_cast %get3A_215 : vector<1x1x16xf32> to vector<16xf32>
        %mul3A_217 = arith.mulf %get3A_210, %get3A_216 : vector<16xf32>
        %add3A_218 = arith.addf %add3A_202, %mul3A_217 : vector<16xf32>
        %mul3A_219 = arith.constant 16 : i32
        %mul3A_220 = arith.muli %scan3A_91, %mul3A_219 : i32
        %get3A_221 = arith.constant 8 : i32
        %get3A_222 = arith.index_cast %rem3A_51 : i32 to index
        %get3A_223 = arith.index_cast %get3A_221 : i32 to index
        %get3A_224 = arith.index_cast %mul3A_220 : i32 to index
        %get3A_225 = tpu.vector_load %arg8[%get3A_222, %get3A_223, %get3A_224] {strides = array<i32>} : memref<2x16x1024xf32, #tpu.memory_space<vmem>>, vector<1x1x16xf32>,
        %get3A_226 = vector.shape_cast %get3A_225 : vector<1x1x16xf32> to vector<16xf32>
        %get3A_227 = arith.constant 8 : i32
        %get3A_228 = arith.index_cast %scan3A_49 : i32 to index
        %get3A_229 = arith.index_cast %get3A_227 : i32 to index
        %get3A_230 = arith.constant 0 : index
        %get3A_231 = tpu.vector_load %arg7[%get3A_228, %get3A_229, %get3A_230] {strides = array<i32>} : memref<32x16x16xf32, #tpu.memory_space<vmem>>, vector<1x1x16xf32>,
        %get3A_232 = vector.shape_cast %get3A_231 : vector<1x1x16xf32> to vector<16xf32>
        %mul3A_233 = arith.mulf %get3A_226, %get3A_232 : vector<16xf32>
        %add3A_234 = arith.addf %add3A_218, %mul3A_233 : vector<16xf32>
        %mul3A_235 = arith.constant 16 : i32
        %mul3A_236 = arith.muli %scan3A_91, %mul3A_235 : i32
        %get3A_237 = arith.constant 9 : i32
        %get3A_238 = arith.index_cast %rem3A_51 : i32 to index
        %get3A_239 = arith.index_cast %get3A_237 : i32 to index
        %get3A_240 = arith.index_cast %mul3A_236 : i32 to index
        %get3A_241 = tpu.vector_load %arg8[%get3A_238, %get3A_239, %get3A_240] {strides = array<i32>} : memref<2x16x1024xf32, #tpu.memory_space<vmem>>, vector<1x1x16xf32>,
        %get3A_242 = vector.shape_cast %get3A_241 : vector<1x1x16xf32> to vector<16xf32>
        %get3A_243 = arith.constant 9 : i32
        %get3A_244 = arith.index_cast %scan3A_49 : i32 to index
        %get3A_245 = arith.index_cast %get3A_243 : i32 to index
        %get3A_246 = arith.constant 0 : index
        %get3A_247 = tpu.vector_load %arg7[%get3A_244, %get3A_245, %get3A_246] {strides = array<i32>} : memref<32x16x16xf32, #tpu.memory_space<vmem>>, vector<1x1x16xf32>,
        %get3A_248 = vector.shape_cast %get3A_247 : vector<1x1x16xf32> to vector<16xf32>
        %mul3A_249 = arith.mulf %get3A_242, %get3A_248 : vector<16xf32>
        %add3A_250 = arith.addf %add3A_234, %mul3A_249 : vector<16xf32>
        %mul3A_251 = arith.constant 16 : i32
        %mul3A_252 = arith.muli %scan3A_91, %mul3A_251 : i32
        %get3A_253 = arith.constant 10 : i32
        %get3A_254 = arith.index_cast %rem3A_51 : i32 to index
        %get3A_255 = arith.index_cast %get3A_253 : i32 to index
        %get3A_256 = arith.index_cast %mul3A_252 : i32 to index
        %get3A_257 = tpu.vector_load %arg8[%get3A_254, %get3A_255, %get3A_256] {strides = array<i32>} : memref<2x16x1024xf32, #tpu.memory_space<vmem>>, vector<1x1x16xf32>,
        %get3A_258 = vector.shape_cast %get3A_257 : vector<1x1x16xf32> to vector<16xf32>
        %get3A_259 = arith.constant 10 : i32
        %get3A_260 = arith.index_cast %scan3A_49 : i32 to index
        %get3A_261 = arith.index_cast %get3A_259 : i32 to index
        %get3A_262 = arith.constant 0 : index
        %get3A_263 = tpu.vector_load %arg7[%get3A_260, %get3A_261, %get3A_262] {strides = array<i32>} : memref<32x16x16xf32, #tpu.memory_space<vmem>>, vector<1x1x16xf32>,
        %get3A_264 = vector.shape_cast %get3A_263 : vector<1x1x16xf32> to vector<16xf32>
        %mul3A_265 = arith.mulf %get3A_258, %get3A_264 : vector<16xf32>
        %add3A_266 = arith.addf %add3A_250, %mul3A_265 : vector<16xf32>
        %mul3A_267 = arith.constant 16 : i32
        %mul3A_268 = arith.muli %scan3A_91, %mul3A_267 : i32
        %get3A_269 = arith.constant 11 : i32
        %get3A_270 = arith.index_cast %rem3A_51 : i32 to index
        %get3A_271 = arith.index_cast %get3A_269 : i32 to index
        %get3A_272 = arith.index_cast %mul3A_268 : i32 to index
        %get3A_273 = tpu.vector_load %arg8[%get3A_270, %get3A_271, %get3A_272] {strides = array<i32>} : memref<2x16x1024xf32, #tpu.memory_space<vmem>>, vector<1x1x16xf32>,
        %get3A_274 = vector.shape_cast %get3A_273 : vector<1x1x16xf32> to vector<16xf32>
        %get3A_275 = arith.constant 11 : i32
        %get3A_276 = arith.index_cast %scan3A_49 : i32 to index
        %get3A_277 = arith.index_cast %get3A_275 : i32 to index
        %get3A_278 = arith.constant 0 : index
        %get3A_279 = tpu.vector_load %arg7[%get3A_276, %get3A_277, %get3A_278] {strides = array<i32>} : memref<32x16x16xf32, #tpu.memory_space<vmem>>, vector<1x1x16xf32>,
        %get3A_280 = vector.shape_cast %get3A_279 : vector<1x1x16xf32> to vector<16xf32>
        %mul3A_281 = arith.mulf %get3A_274, %get3A_280 : vector<16xf32>
        %add3A_282 = arith.addf %add3A_266, %mul3A_281 : vector<16xf32>
        %mul3A_283 = arith.constant 16 : i32
        %mul3A_284 = arith.muli %scan3A_91, %mul3A_283 : i32
        %get3A_285 = arith.constant 12 : i32
        %get3A_286 = arith.index_cast %rem3A_51 : i32 to index
        %get3A_287 = arith.index_cast %get3A_285 : i32 to index
        %get3A_288 = arith.index_cast %mul3A_284 : i32 to index
        %get3A_289 = tpu.vector_load %arg8[%get3A_286, %get3A_287, %get3A_288] {strides = array<i32>} : memref<2x16x1024xf32, #tpu.memory_space<vmem>>, vector<1x1x16xf32>,
        %get3A_290 = vector.shape_cast %get3A_289 : vector<1x1x16xf32> to vector<16xf32>
        %get3A_291 = arith.constant 12 : i32
        %get3A_292 = arith.index_cast %scan3A_49 : i32 to index
        %get3A_293 = arith.index_cast %get3A_291 : i32 to index
        %get3A_294 = arith.constant 0 : index
        %get3A_295 = tpu.vector_load %arg7[%get3A_292, %get3A_293, %get3A_294] {strides = array<i32>} : memref<32x16x16xf32, #tpu.memory_space<vmem>>, vector<1x1x16xf32>,
        %get3A_296 = vector.shape_cast %get3A_295 : vector<1x1x16xf32> to vector<16xf32>
        %mul3A_297 = arith.mulf %get3A_290, %get3A_296 : vector<16xf32>
        %add3A_298 = arith.addf %add3A_282, %mul3A_297 : vector<16xf32>
        %mul3A_299 = arith.constant 16 : i32
        %mul3A_300 = arith.muli %scan3A_91, %mul3A_299 : i32
        %get3A_301 = arith.constant 13 : i32
        %get3A_302 = arith.index_cast %rem3A_51 : i32 to index
        %get3A_303 = arith.index_cast %get3A_301 : i32 to index
        %get3A_304 = arith.index_cast %mul3A_300 : i32 to index
        %get3A_305 = tpu.vector_load %arg8[%get3A_302, %get3A_303, %get3A_304] {strides = array<i32>} : memref<2x16x1024xf32, #tpu.memory_space<vmem>>, vector<1x1x16xf32>,
        %get3A_306 = vector.shape_cast %get3A_305 : vector<1x1x16xf32> to vector<16xf32>
        %get3A_307 = arith.constant 13 : i32
        %get3A_308 = arith.index_cast %scan3A_49 : i32 to index
        %get3A_309 = arith.index_cast %get3A_307 : i32 to index
        %get3A_310 = arith.constant 0 : index
        %get3A_311 = tpu.vector_load %arg7[%get3A_308, %get3A_309, %get3A_310] {strides = array<i32>} : memref<32x16x16xf32, #tpu.memory_space<vmem>>, vector<1x1x16xf32>,
        %get3A_312 = vector.shape_cast %get3A_311 : vector<1x1x16xf32> to vector<16xf32>
        %mul3A_313 = arith.mulf %get3A_306, %get3A_312 : vector<16xf32>
        %add3A_314 = arith.addf %add3A_298, %mul3A_313 : vector<16xf32>
        %mul3A_315 = arith.constant 16 : i32
        %mul3A_316 = arith.muli %scan3A_91, %mul3A_315 : i32
        %get3A_317 = arith.constant 14 : i32
        %get3A_318 = arith.index_cast %rem3A_51 : i32 to index
        %get3A_319 = arith.index_cast %get3A_317 : i32 to index
        %get3A_320 = arith.index_cast %mul3A_316 : i32 to index
        %get3A_321 = tpu.vector_load %arg8[%get3A_318, %get3A_319, %get3A_320] {strides = array<i32>} : memref<2x16x1024xf32, #tpu.memory_space<vmem>>, vector<1x1x16xf32>,
        %get3A_322 = vector.shape_cast %get3A_321 : vector<1x1x16xf32> to vector<16xf32>
        %get3A_323 = arith.constant 14 : i32
        %get3A_324 = arith.index_cast %scan3A_49 : i32 to index
        %get3A_325 = arith.index_cast %get3A_323 : i32 to index
        %get3A_326 = arith.constant 0 : index
        %get3A_327 = tpu.vector_load %arg7[%get3A_324, %get3A_325, %get3A_326] {strides = array<i32>} : memref<32x16x16xf32, #tpu.memory_space<vmem>>, vector<1x1x16xf32>,
        %get3A_328 = vector.shape_cast %get3A_327 : vector<1x1x16xf32> to vector<16xf32>
        %mul3A_329 = arith.mulf %get3A_322, %get3A_328 : vector<16xf32>
        %add3A_330 = arith.addf %add3A_314, %mul3A_329 : vector<16xf32>
        %mul3A_331 = arith.constant 16 : i32
        %mul3A_332 = arith.muli %scan3A_91, %mul3A_331 : i32
        %get3A_333 = arith.constant 15 : i32
        %get3A_334 = arith.index_cast %rem3A_51 : i32 to index
        %get3A_335 = arith.index_cast %get3A_333 : i32 to index
        %get3A_336 = arith.index_cast %mul3A_332 : i32 to index
        %get3A_337 = tpu.vector_load %arg8[%get3A_334, %get3A_335, %get3A_336] {strides = array<i32>} : memref<2x16x1024xf32, #tpu.memory_space<vmem>>, vector<1x1x16xf32>,
        %get3A_338 = vector.shape_cast %get3A_337 : vector<1x1x16xf32> to vector<16xf32>
        %get3A_339 = arith.constant 15 : i32
        %get3A_340 = arith.index_cast %scan3A_49 : i32 to index
        %get3A_341 = arith.index_cast %get3A_339 : i32 to index
        %get3A_342 = arith.constant 0 : index
        %get3A_343 = tpu.vector_load %arg7[%get3A_340, %get3A_341, %get3A_342] {strides = array<i32>} : memref<32x16x16xf32, #tpu.memory_space<vmem>>, vector<1x1x16xf32>,
        %get3A_344 = vector.shape_cast %get3A_343 : vector<1x1x16xf32> to vector<16xf32>
        %mul3A_345 = arith.mulf %get3A_338, %get3A_344 : vector<16xf32>
        %add3A_346 = arith.addf %add3A_330, %mul3A_345 : vector<16xf32>
        %mul3A_347 = arith.constant 16 : i32
        %mul3A_348 = arith.muli %scan3A_91, %mul3A_347 : i32
        %swap3A = arith.index_cast %rem3A_51 : i32 to index
        %swap3A_349 = arith.index_cast %mul3A_348 : i32 to index
        %swap3A_350 = tpu.vector_load %arg9[%swap3A, %swap3A_349] {strides = array<i32>} : memref<2x1024xf32, #tpu.memory_space<vmem>>, vector<1x16xf32>,
        %swap3A_351 = vector.shape_cast %swap3A_350 : vector<1x16xf32> to vector<16xf32>
        %swap3A_352 = vector.shape_cast %add3A_346 : vector<16xf32> to vector<1x16xf32>
        tpu.vector_store %arg9[%swap3A, %swap3A_349], %swap3A_352 {strides = array<i32>} : memref<2x1024xf32, #tpu.memory_space<vmem>>, vector<1x16xf32>,
        %scan3A_353 = arith.constant 0 : i32
        scf.yield %scan3A_353 : i32
      }
      %scan3A_76 = arith.constant 64 : i32
      %add3A_77 = arith.addi %mul3A_2, %scan3A_49 : i32
      %dma_start3A_78 = arith.constant 0 : i32
      %dma_start3A_79 = tpu.memref_slice %arg9[%rem3A_51, %dma_start3A_78] : memref<2x1024xf32, #tpu.memory_space<vmem>> -> memref<1x1024xf32, #tpu.memory_space<vmem>>
      %dma_start3A_80 = tpu.memref_squeeze %dma_start3A_79 : memref<1x1024xf32, #tpu.memory_space<vmem>> -> memref<1024xf32, #tpu.memory_space<vmem>>
      %dma_start3A_81 = arith.constant 0 : i32
      %dma_start3A_82 = tpu.memref_slice %arg5[%add3A_77, %dma_start3A_81] : memref<1024x1024xf32, #tpu.memory_space<hbm>> -> memref<1x1024xf32, #tpu.memory_space<hbm>>
      %dma_start3A_83 = tpu.memref_squeeze %dma_start3A_82 : memref<1x1024xf32, #tpu.memory_space<hbm>> -> memref<1024xf32, #tpu.memory_space<hbm>>
      %dma_start3A_84 = arith.constant 0 : i32
      %dma_start3A_85 = tpu.memref_slice %arg5[%add3A_77, %dma_start3A_84] : memref<1024x1024xf32, #tpu.memory_space<hbm>> -> memref<1x1024xf32, #tpu.memory_space<hbm>>
      %dma_start3A_86 = tpu.memref_squeeze %dma_start3A_85 : memref<1x1024xf32, #tpu.memory_space<hbm>> -> memref<1024xf32, #tpu.memory_space<hbm>>
      %dma_start3A_87 = arith.constant 0 : i32
      %dma_start3A_88 = tpu.memref_slice %arg9[%rem3A_51, %dma_start3A_87] : memref<2x1024xf32, #tpu.memory_space<vmem>> -> memref<1x1024xf32, #tpu.memory_space<vmem>>
      %dma_start3A_89 = tpu.memref_squeeze %dma_start3A_88 : memref<1x1024xf32, #tpu.memory_space<vmem>> -> memref<1024xf32, #tpu.memory_space<vmem>>
      tpu.enqueue_dma source(%dma_start3A_89 : memref<1024xf32, #tpu.memory_space<vmem>>) target(%dma_start3A_86 : memref<1024xf32, #tpu.memory_space<hbm>>) target_semaphore(%arg11 : memref<!tpu.dma_semaphore, #tpu.memory_space<semaphore_mem>>)
      %scan3A_90 = arith.constant 0 : i32
      scf.yield %scan3A_90 : i32
    }
    %scan3A_19 = arith.constant 32 : i32
    %add3A_20 = arith.constant 30 : i32
    %add3A_21 = arith.addi %mul3A_2, %add3A_20 : i32
    %dma_wait3A = arith.constant 0 : i32
    %dma_wait3A_22 = arith.constant 0 : i32
    %dma_wait3A_23 = tpu.memref_slice %arg9[%dma_wait3A, %dma_wait3A_22] : memref<2x1024xf32, #tpu.memory_space<vmem>> -> memref<1x1024xf32, #tpu.memory_space<vmem>>
    %dma_wait3A_24 = tpu.memref_squeeze %dma_wait3A_23 : memref<1x1024xf32, #tpu.memory_space<vmem>> -> memref<1024xf32, #tpu.memory_space<vmem>>
    %dma_wait3A_25 = arith.constant 0 : i32
    %dma_wait3A_26 = tpu.memref_slice %arg5[%add3A_21, %dma_wait3A_25] : memref<1024x1024xf32, #tpu.memory_space<hbm>> -> memref<1x1024xf32, #tpu.memory_space<hbm>>
    %dma_wait3A_27 = tpu.memref_squeeze %dma_wait3A_26 : memref<1x1024xf32, #tpu.memory_space<hbm>> -> memref<1024xf32, #tpu.memory_space<hbm>>
    %dma_wait3A_28 = arith.constant 0 : i32
    %dma_wait3A_29 = tpu.memref_slice %arg5[%add3A_21, %dma_wait3A_28] : memref<1024x1024xf32, #tpu.memory_space<hbm>> -> memref<1x1024xf32, #tpu.memory_space<hbm>>
    %dma_wait3A_30 = tpu.memref_squeeze %dma_wait3A_29 : memref<1x1024xf32, #tpu.memory_space<hbm>> -> memref<1024xf32, #tpu.memory_space<hbm>>
    %dma_wait3A_31 = arith.constant 0 : i32
    %dma_wait3A_32 = tpu.memref_slice %arg9[%dma_wait3A, %dma_wait3A_31] : memref<2x1024xf32, #tpu.memory_space<vmem>> -> memref<1x1024xf32, #tpu.memory_space<vmem>>
    %dma_wait3A_33 = tpu.memref_squeeze %dma_wait3A_32 : memref<1x1024xf32, #tpu.memory_space<vmem>> -> memref<1024xf32, #tpu.memory_space<vmem>>
    tpu.wait_dma2 semaphore(%arg11 : memref<!tpu.dma_semaphore, #tpu.memory_space<semaphore_mem>>) src(%dma_wait3A_33 : memref<1024xf32, #tpu.memory_space<vmem>>) dst(%dma_wait3A_30 : memref<1024xf32, #tpu.memory_space<hbm>>)
    %add3A_34 = arith.constant 31 : i32
    %add3A_35 = arith.addi %mul3A_2, %add3A_34 : i32
    %dma_wait3A_36 = arith.constant 1 : i32
    %dma_wait3A_37 = arith.constant 0 : i32
    %dma_wait3A_38 = tpu.memref_slice %arg9[%dma_wait3A_36, %dma_wait3A_37] : memref<2x1024xf32, #tpu.memory_space<vmem>> -> memref<1x1024xf32, #tpu.memory_space<vmem>>
    %dma_wait3A_39 = tpu.memref_squeeze %dma_wait3A_38 : memref<1x1024xf32, #tpu.memory_space<vmem>> -> memref<1024xf32, #tpu.memory_space<vmem>>
    %dma_wait3A_40 = arith.constant 0 : i32
    %dma_wait3A_41 = tpu.memref_slice %arg5[%add3A_35, %dma_wait3A_40] : memref<1024x1024xf32, #tpu.memory_space<hbm>> -> memref<1x1024xf32, #tpu.memory_space<hbm>>
    %dma_wait3A_42 = tpu.memref_squeeze %dma_wait3A_41 : memref<1x1024xf32, #tpu.memory_space<hbm>> -> memref<1024xf32, #tpu.memory_space<hbm>>
    %dma_wait3A_43 = arith.constant 0 : i32
    %dma_wait3A_44 = tpu.memref_slice %arg5[%add3A_35, %dma_wait3A_43] : memref<1024x1024xf32, #tpu.memory_space<hbm>> -> memref<1x1024xf32, #tpu.memory_space<hbm>>
    %dma_wait3A_45 = tpu.memref_squeeze %dma_wait3A_44 : memref<1x1024xf32, #tpu.memory_space<hbm>> -> memref<1024xf32, #tpu.memory_space<hbm>>
    %dma_wait3A_46 = arith.constant 0 : i32
    %dma_wait3A_47 = tpu.memref_slice %arg9[%dma_wait3A_36, %dma_wait3A_46] : memref<2x1024xf32, #tpu.memory_space<vmem>> -> memref<1x1024xf32, #tpu.memory_space<vmem>>
    %dma_wait3A_48 = tpu.memref_squeeze %dma_wait3A_47 : memref<1x1024xf32, #tpu.memory_space<vmem>> -> memref<1024xf32, #tpu.memory_space<vmem>>
    tpu.wait_dma2 semaphore(%arg11 : memref<!tpu.dma_semaphore, #tpu.memory_space<semaphore_mem>>) src(%dma_wait3A_48 : memref<1024xf32, #tpu.memory_space<vmem>>) dst(%dma_wait3A_45 : memref<1024xf32, #tpu.memory_space<hbm>>)
    return
  }
}

module attributes {stable_mosaic.version = 14 : i64} {
  func.func @_gate_body(%arg0: i32, %arg1: memref<256x1024xf32, #tpu.memory_space<vmem>>, %arg2: memref<256x1024xf32, #tpu.memory_space<vmem>>, %arg3: memref<1024x2048xf32, #tpu.memory_space<vmem>>, %arg4: memref<1x1024xf32, #tpu.memory_space<vmem>>, %arg5: memref<1024x1024xf32, #tpu.memory_space<vmem>>, %arg6: memref<256x1024xf32, #tpu.memory_space<vmem>>) attributes {dimension_semantics = [#tpu.dimension_semantics<arbitrary>], iteration_bounds = array<i64: 4>, scalar_prefetch = 0 : i64, scratch_operands = 0 : i64, tpu.core_type = #tpu.core_type<tc>, window_params = [{transform_indices = @transform_0, window_bounds = array<i64: 256, 1024>}, {transform_indices = @transform_1, window_bounds = array<i64: 256, 1024>}, {pipeline_mode = #tpu.pipeline_mode<synchronous>, transform_indices = @transform_2, window_bounds = array<i64: 1024, 2048>}, {pipeline_mode = #tpu.pipeline_mode<synchronous>, transform_indices = @transform_3, window_bounds = array<i64: 1, 1024>}, {pipeline_mode = #tpu.pipeline_mode<synchronous>, transform_indices = @transform_4, window_bounds = array<i64: 1024, 1024>}, {transform_indices = @transform_5, window_bounds = array<i64: 256, 1024>}]} {
    %get3A = arith.constant 0 : index
    %get3A_0 = arith.constant 0 : index
    %get3A_1 = vector.load %arg1[%get3A, %get3A_0] : memref<256x1024xf32, #tpu.memory_space<vmem>>, vector<256x1024xf32>
    %get3A_2 = arith.constant 0 : index
    %get3A_3 = arith.constant 0 : index
    %get3A_4 = vector.load %arg2[%get3A_2, %get3A_3] : memref<256x1024xf32, #tpu.memory_space<vmem>>, vector<256x1024xf32>
    %get3A_5 = arith.constant 0 : index
    %get3A_6 = arith.constant 0 : index
    %get3A_7 = vector.load %arg3[%get3A_5, %get3A_6] : memref<1024x2048xf32, #tpu.memory_space<vmem>>, vector<1024x1024xf32>
    %dot_general3A = arith.constant dense<0.000000e+00> : vector<256x1024xf32>
    %dot_general3A_8 = tpu.matmul %get3A_1, %get3A_7, %dot_general3A {dimension_numbers = #tpu.dot_dimension_numbers<[1], [1], [0], [0], [0, 0, 1, 0], [], []>, transpose_lhs_hint = false} : vector<256x1024xf32>, vector<1024x1024xf32>, vector<256x1024xf32> -> vector<256x1024xf32>
    %get3A_9 = arith.constant 0 : index
    %get3A_10 = arith.constant 1024 : index
    %get3A_11 = vector.load %arg3[%get3A_9, %get3A_10] : memref<1024x2048xf32, #tpu.memory_space<vmem>>, vector<1024x1024xf32>
    %dot_general3A_12 = arith.constant dense<0.000000e+00> : vector<256x1024xf32>
    %dot_general3A_13 = tpu.matmul %get3A_4, %get3A_11, %dot_general3A_12 {dimension_numbers = #tpu.dot_dimension_numbers<[1], [1], [0], [0], [0, 0, 1, 0], [], []>, transpose_lhs_hint = false} : vector<256x1024xf32>, vector<1024x1024xf32>, vector<256x1024xf32> -> vector<256x1024xf32>
    %add3A = arith.addf %dot_general3A_8, %dot_general3A_13 : vector<256x1024xf32>
    %get3A_14 = arith.constant 0 : index
    %get3A_15 = arith.constant 0 : index
    %get3A_16 = vector.load %arg4[%get3A_14, %get3A_15] : memref<1x1024xf32, #tpu.memory_space<vmem>>, vector<1x1024xf32>
    %add3A_17 = vector.broadcast %get3A_16 : vector<1x1024xf32> to vector<256x1024xf32>
    %add3A_18 = arith.addf %add3A, %add3A_17 : vector<256x1024xf32>
    %logistic3A = arith.negf %add3A_18 : vector<256x1024xf32>
    %logistic3A_19 = math.exp %logistic3A : vector<256x1024xf32>
    %logistic3A_20 = arith.constant 1.000000e+00 : f32
    %logistic3A_21 = vector.broadcast %logistic3A_20 : f32 to vector<256x1024xf32>
    %logistic3A_22 = arith.addf %logistic3A_21, %logistic3A_19 : vector<256x1024xf32>
    %logistic3A_23 = arith.divf %logistic3A_21, %logistic3A_22 : vector<256x1024xf32>
    %mul3A = arith.mulf %logistic3A_23, %get3A_4 : vector<256x1024xf32>
    %tanh3A = math.tanh %mul3A : vector<256x1024xf32>
    %get3A_24 = arith.constant 0 : index
    %get3A_25 = arith.constant 0 : index
    %get3A_26 = vector.load %arg5[%get3A_24, %get3A_25] : memref<1024x1024xf32, #tpu.memory_space<vmem>>, vector<1024x1024xf32>
    %dot_general3A_27 = arith.constant dense<0.000000e+00> : vector<256x1024xf32>
    %dot_general3A_28 = tpu.matmul %tanh3A, %get3A_26, %dot_general3A_27 {dimension_numbers = #tpu.dot_dimension_numbers<[1], [1], [0], [0], [0, 0, 1, 0], [], []>, transpose_lhs_hint = false} : vector<256x1024xf32>, vector<1024x1024xf32>, vector<256x1024xf32> -> vector<256x1024xf32>
    %swap3A = arith.constant 0 : index
    %swap3A_29 = arith.constant 0 : index
    %swap3A_30 = vector.load %arg6[%swap3A, %swap3A_29] : memref<256x1024xf32, #tpu.memory_space<vmem>>, vector<256x1024xf32>
    tpu.vector_store %arg6[%swap3A, %swap3A_29], %dot_general3A_28 {strides = array<i32>} : memref<256x1024xf32, #tpu.memory_space<vmem>>, vector<256x1024xf32>,
    return
  }
  func.func @transform_0(%arg0: i32) -> (i32, i32) {
    %c0_i32 = arith.constant 0 : i32
    %c0_i32_0 = arith.constant 0 : i32
    return %arg0, %c0_i32 : i32, i32
  }
  func.func @transform_1(%arg0: i32) -> (i32, i32) {
    %c0_i32 = arith.constant 0 : i32
    %c0_i32_0 = arith.constant 0 : i32
    return %arg0, %c0_i32 : i32, i32
  }
  func.func @transform_2(%arg0: i32) -> (i32, i32) {
    %c0_i32 = arith.constant 0 : i32
    %c0_i32_0 = arith.constant 0 : i32
    %c0_i32_1 = arith.constant 0 : i32
    return %c0_i32, %c0_i32_0 : i32, i32
  }
  func.func @transform_3(%arg0: i32) -> (i32, i32) {
    %c0_i32 = arith.constant 0 : i32
    %c0_i32_0 = arith.constant 0 : i32
    %c0_i32_1 = arith.constant 0 : i32
    return %c0_i32, %c0_i32_0 : i32, i32
  }
  func.func @transform_4(%arg0: i32) -> (i32, i32) {
    %c0_i32 = arith.constant 0 : i32
    %c0_i32_0 = arith.constant 0 : i32
    %c0_i32_1 = arith.constant 0 : i32
    return %c0_i32, %c0_i32_0 : i32, i32
  }
  func.func @transform_5(%arg0: i32) -> (i32, i32) {
    %c0_i32 = arith.constant 0 : i32
    %c0_i32_0 = arith.constant 0 : i32
    return %arg0, %c0_i32 : i32, i32
  }
}

module attributes {stable_mosaic.version = 14 : i64} {
  func.func @_topk_body(%arg0: i32, %arg1: memref<1024x1024xf32, #tpu.memory_space<vmem>>, %arg2: memref<1024x1024xf32, #tpu.memory_space<vmem>>, %arg3: memref<1024x16x16xf32, #tpu.memory_space<vmem>>, %arg4: memref<1024x16xi32, #tpu.memory_space<vmem>>, %arg5: memref<1024x1024xf32, #tpu.memory_space<vmem>>, %arg6: memref<1024x1024xf32, #tpu.memory_space<vmem>>, %arg7: memref<1024x16xf32, #tpu.memory_space<vmem>>, %arg8: memref<1024x16xi32, #tpu.memory_space<vmem>>, %arg9: memref<1024x1xf32, #tpu.memory_space<vmem>>, %arg10: memref<1024x1xi32, #tpu.memory_space<vmem>>) attributes {dimension_semantics = [#tpu.dimension_semantics<arbitrary>], iteration_bounds = array<i64: 64>, scalar_prefetch = 0 : i64, scratch_operands = 6 : i64, tpu.core_type = #tpu.core_type<tc>, window_params = [{pipeline_mode = #tpu.pipeline_mode<synchronous>, transform_indices = @transform_0, window_bounds = array<i64: 1024, 1024>}, {transform_indices = @transform_1, window_bounds = array<i64: 1024, 1024>}, {pipeline_mode = #tpu.pipeline_mode<synchronous>, transform_indices = @transform_2, window_bounds = array<i64: 1024, 16, 16>}, {pipeline_mode = #tpu.pipeline_mode<synchronous>, transform_indices = @transform_3, window_bounds = array<i64: 1024, 16>}]} {
    %eq3A = arith.constant 0 : i32
    %eq3A_0 = arith.cmpi eq, %arg0, %eq3A : i32
    %convert_element_type3A = arith.extui %eq3A_0 : i1 to i32
    %cond3A = arith.constant 0 : i32
    %cond3A_1 = arith.cmpi ne, %convert_element_type3A, %cond3A : i32
    scf.if %cond3A_1 {
      %get3A_35 = arith.constant 0 : index
      %get3A_36 = arith.constant 0 : index
      %get3A_37 = vector.load %arg1[%get3A_35, %get3A_36] : memref<1024x1024xf32, #tpu.memory_space<vmem>>, vector<1024x1024xf32>
      %mul3A_38 = arith.mulf %get3A_37, %get3A_37 : vector<1024x1024xf32>
      %reduce_sum3A_39 = arith.constant dense<0.000000e+00> : vector<1024xf32>
      %reduce_sum3A_40 = vector.multi_reduction <add>, %mul3A_38, %reduce_sum3A_39 [1] : vector<1024x1024xf32> to vector<1024xf32>
      %broadcast_in_dim3A_41 = vector.shape_cast %reduce_sum3A_40 : vector<1024xf32> to vector<1024x1xf32>
      %max3A_42 = arith.constant 1.000000e-24 : f32
      %max3A_43 = vector.broadcast %max3A_42 : f32 to vector<1024x1xf32>
      %max3A_44 = arith.maximumf %broadcast_in_dim3A_41, %max3A_43 : vector<1024x1xf32>
      %rsqrt3A_45 = math.rsqrt %max3A_44 : vector<1024x1xf32>
      %mul3A_46 = vector.broadcast %rsqrt3A_45 : vector<1024x1xf32> to vector<1024x1024xf32>
      %mul3A_47 = arith.mulf %get3A_37, %mul3A_46 : vector<1024x1024xf32>
      %swap3A_48 = arith.constant 0 : index
      %swap3A_49 = arith.constant 0 : index
      %swap3A_50 = vector.load %arg5[%swap3A_48, %swap3A_49] : memref<1024x1024xf32, #tpu.memory_space<vmem>>, vector<1024x1024xf32>
      tpu.vector_store %arg5[%swap3A_48, %swap3A_49], %mul3A_47 {strides = array<i32>} : memref<1024x1024xf32, #tpu.memory_space<vmem>>, vector<1024x1024xf32>,
      %broadcast_in_dim3A_51 = arith.constant -3.000000e+38 : f32
      %broadcast_in_dim3A_52 = vector.broadcast %broadcast_in_dim3A_51 : f32 to vector<1024x16xf32>
      %swap3A_53 = arith.constant 0 : index
      %swap3A_54 = arith.constant 0 : index
      %swap3A_55 = vector.load %arg7[%swap3A_53, %swap3A_54] : memref<1024x16xf32, #tpu.memory_space<vmem>>, vector<1024x16xf32>
      tpu.vector_store %arg7[%swap3A_53, %swap3A_54], %broadcast_in_dim3A_52 {strides = array<i32>} : memref<1024x16xf32, #tpu.memory_space<vmem>>, vector<1024x16xf32>,
      %broadcast_in_dim3A_56 = arith.constant 0 : i32
      %broadcast_in_dim3A_57 = vector.broadcast %broadcast_in_dim3A_56 : i32 to vector<1024x16xi32>
      %swap3A_58 = arith.constant 0 : index
      %swap3A_59 = arith.constant 0 : index
      %swap3A_60 = vector.load %arg8[%swap3A_58, %swap3A_59] : memref<1024x16xi32, #tpu.memory_space<vmem>>, vector<1024x16xi32>
      tpu.vector_store %arg8[%swap3A_58, %swap3A_59], %broadcast_in_dim3A_57 {strides = array<i32>} : memref<1024x16xi32, #tpu.memory_space<vmem>>, vector<1024x16xi32>,
    } else {
    }
    %get3A = arith.constant 0 : index
    %get3A_2 = arith.constant 0 : index
    %get3A_3 = vector.load %arg2[%get3A, %get3A_2] : memref<1024x1024xf32, #tpu.memory_space<vmem>>, vector<1024x1024xf32>
    %get3A_4 = arith.constant 0 : index
    %get3A_5 = arith.constant 0 : index
    %get3A_6 = vector.load %arg5[%get3A_4, %get3A_5] : memref<1024x1024xf32, #tpu.memory_space<vmem>>, vector<1024x1024xf32>
    %dot_general3A = arith.constant dense<0.000000e+00> : vector<1024x1024xf32>
    %dot_general3A_7 = tpu.matmul %get3A_6, %get3A_3, %dot_general3A {dimension_numbers = #tpu.dot_dimension_numbers<[1], [1], [0], [0], [0, 0, 1, 0], [], []>, transpose_lhs_hint = false} : vector<1024x1024xf32>, vector<1024x1024xf32>, vector<1024x1024xf32> -> vector<1024x1024xf32>
    %mul3A = arith.mulf %get3A_3, %get3A_3 : vector<1024x1024xf32>
    %reduce_sum3A = arith.constant dense<0.000000e+00> : vector<1024xf32>
    %reduce_sum3A_8 = vector.multi_reduction <add>, %mul3A, %reduce_sum3A [1] : vector<1024x1024xf32> to vector<1024xf32>
    %broadcast_in_dim3A = vector.shape_cast %reduce_sum3A_8 : vector<1024xf32> to vector<1024x1xf32>
    %max3A = arith.constant 1.000000e-24 : f32
    %max3A_9 = vector.broadcast %max3A : f32 to vector<1024x1xf32>
    %max3A_10 = arith.maximumf %broadcast_in_dim3A, %max3A_9 : vector<1024x1xf32>
    %rsqrt3A = math.rsqrt %max3A_10 : vector<1024x1xf32>
    %reshape3A = vector.shape_cast %rsqrt3A : vector<1024x1xf32> to vector<1x1024xf32>
    %mul3A_11 = vector.broadcast %reshape3A : vector<1x1024xf32> to vector<1024x1024xf32>
    %mul3A_12 = arith.mulf %dot_general3A_7, %mul3A_11 : vector<1024x1024xf32>
    %swap3A = arith.constant 0 : index
    %swap3A_13 = arith.constant 0 : index
    %swap3A_14 = vector.load %arg6[%swap3A, %swap3A_13] : memref<1024x1024xf32, #tpu.memory_space<vmem>>, vector<1024x1024xf32>
    tpu.vector_store %arg6[%swap3A, %swap3A_13], %mul3A_12 {strides = array<i32>} : memref<1024x1024xf32, #tpu.memory_space<vmem>>, vector<1024x1024xf32>,
    %iota3A = tpu.iota {dimensions = array<i32: 1>} : vector<1024x1024xi32>
    %iota3A_15 = tpu.iota {dimensions = array<i32: 1>} : vector<1024x16xi32>
    %mul3A_16 = arith.constant 1024 : i32
    %mul3A_17 = arith.muli %arg0, %mul3A_16 : i32
    %broadcast_in_dim3A_18 = arith.constant 0x7F800000 : f32
    %broadcast_in_dim3A_19 = vector.broadcast %broadcast_in_dim3A_18 : f32 to vector<1024x1xf32>
    %swap3A_20 = arith.constant 0 : index
    %swap3A_21 = arith.constant 0 : index
    %swap3A_22 = vector.load %arg9[%swap3A_20, %swap3A_21] : memref<1024x1xf32, #tpu.memory_space<vmem>>, vector<1024x1xf32>
    tpu.vector_store %arg9[%swap3A_20, %swap3A_21], %broadcast_in_dim3A_19 {strides = array<i32>} : memref<1024x1xf32, #tpu.memory_space<vmem>>, vector<1024x1xf32>,
    %broadcast_in_dim3A_23 = arith.constant -1 : i32
    %broadcast_in_dim3A_24 = vector.broadcast %broadcast_in_dim3A_23 : i32 to vector<1024x1xi32>
    %swap3A_25 = arith.constant 0 : index
    %swap3A_26 = arith.constant 0 : index
    %swap3A_27 = vector.load %arg10[%swap3A_25, %swap3A_26] : memref<1024x1xi32, #tpu.memory_space<vmem>>, vector<1024x1xi32>
    tpu.vector_store %arg10[%swap3A_25, %swap3A_26], %broadcast_in_dim3A_24 {strides = array<i32>} : memref<1024x1xi32, #tpu.memory_space<vmem>>, vector<1024x1xi32>,
    %while3A = arith.constant 0 : i32
    %while3A_28 = arith.constant true
    %while3A_29:2 = scf.while (%while3A_35 = %while3A, %while3A_36 = %while3A_28) : (i32, i1) -> (i32, i1) {
      %lt3A = arith.constant 16 : i32
      %lt3A_37 = arith.cmpi slt, %while3A_35, %lt3A : i32
      %and3A = arith.andi %lt3A_37, %while3A_36 : i1
      scf.condition(%and3A) %while3A_35, %while3A_36 : i32, i1
    } do {
    ^bb0(%while3A_35: i32, %while3A_36: i1):
      %get3A_37 = arith.constant 0 : index
      %get3A_38 = arith.constant 0 : index
      %get3A_39 = vector.load %arg6[%get3A_37, %get3A_38] : memref<1024x1024xf32, #tpu.memory_space<vmem>>, vector<1024x1024xf32>
      %get3A_40 = arith.constant 0 : index
      %get3A_41 = arith.constant 0 : index
      %get3A_42 = vector.load %arg9[%get3A_40, %get3A_41] : memref<1024x1xf32, #tpu.memory_space<vmem>>, vector<1024x1xf32>
      %get3A_43 = arith.constant 0 : index
      %get3A_44 = arith.constant 0 : index
      %get3A_45 = vector.load %arg10[%get3A_43, %get3A_44] : memref<1024x1xi32, #tpu.memory_space<vmem>>, vector<1024x1xi32>
      %lt3A = vector.broadcast %get3A_42 : vector<1024x1xf32> to vector<1024x1024xf32>
      %lt3A_46 = arith.cmpf olt, %get3A_39, %lt3A : vector<1024x1024xf32>
      %eq3A_47 = vector.broadcast %get3A_42 : vector<1024x1xf32> to vector<1024x1024xf32>
      %eq3A_48 = arith.cmpf oeq, %get3A_39, %eq3A_47 : vector<1024x1024xf32>
      %gt3A = vector.broadcast %get3A_45 : vector<1024x1xi32> to vector<1024x1024xi32>
      %gt3A_49 = arith.cmpi sgt, %iota3A, %gt3A : vector<1024x1024xi32>
      %and3A = arith.andi %eq3A_48, %gt3A_49 : vector<1024x1024xi1>
      %or3A = arith.ori %lt3A_46, %and3A : vector<1024x1024xi1>
      %jit3A = arith.constant -3.000000e+38 : f32
      %broadcast_in_dim3A_50 = vector.broadcast %jit3A : f32 to vector<1024x1024xf32>
      %select_n3A = arith.select %or3A, %get3A_39, %broadcast_in_dim3A_50 : vector<1024x1024xi1>, vector<1024x1024xf32>
      %reduce_max3A = arith.constant dense<0xFF800000> : vector<1024xf32>
      %reduce_max3A_51 = vector.multi_reduction <maximumf>, %select_n3A, %reduce_max3A [1] : vector<1024x1024xf32> to vector<1024xf32>
      %broadcast_in_dim3A_52 = vector.shape_cast %reduce_max3A_51 : vector<1024xf32> to vector<1024x1xf32>
      %get3A_53 = arith.constant 0 : index
      %get3A_54 = arith.constant 0 : index
      %get3A_55 = vector.load %arg7[%get3A_53, %get3A_54] : memref<1024x16xf32, #tpu.memory_space<vmem>>, vector<1024x16xf32>
      %reduce_min3A = arith.constant dense<0x7F800000> : vector<1024xf32>
      %reduce_min3A_56 = vector.multi_reduction <minimumf>, %get3A_55, %reduce_min3A [1] : vector<1024x16xf32> to vector<1024xf32>
      %broadcast_in_dim3A_57 = vector.shape_cast %reduce_min3A_56 : vector<1024xf32> to vector<1024x1xf32>
      %gt3A_58 = arith.cmpf ogt, %broadcast_in_dim3A_52, %broadcast_in_dim3A_57 : vector<1024x1xf32>
      %reduce_or3A = arith.constant 1.000000e+00 : f32
      %reduce_or3A_59 = arith.constant 0.000000e+00 : f32
      %reduce_or3A_60 = vector.broadcast %reduce_or3A : f32 to vector<1024x1xf32>
      %reduce_or3A_61 = vector.broadcast %reduce_or3A_59 : f32 to vector<1024x1xf32>
      %reduce_or3A_62 = arith.select %gt3A_58, %reduce_or3A_60, %reduce_or3A_61 : vector<1024x1xi1>, vector<1024x1xf32>
      %reduce_or3A_63 = vector.shape_cast %reduce_or3A_62 : vector<1024x1xf32> to vector<1x1024x1xf32>
      %reduce_or3A_64 = arith.constant dense<0xFF800000> : vector<1xf32>
      %reduce_or3A_65 = vector.multi_reduction <maximumf>, %reduce_or3A_63, %reduce_or3A_64 [1, 2] : vector<1x1024x1xf32> to vector<1xf32>
      %reduce_or3A_66 = vector.shape_cast %reduce_or3A_65 : vector<1xf32> to vector<1x1x1xf32>
      %reduce_or3A_67 = vector.extract %reduce_or3A_66[0, 0, 0] : f32 from vector<1x1x1xf32>
      %reduce_or3A_68 = arith.constant 0.000000e+00 : f32
      %reduce_or3A_69 = arith.cmpf ogt, %reduce_or3A_67, %reduce_or3A_68 : f32
      %convert_element_type3A_70 = arith.extui %reduce_or3A_69 : i1 to i32
      %cond3A_71 = arith.constant 0 : i32
      %cond3A_72 = arith.cmpi ne, %convert_element_type3A_70, %cond3A_71 : i32
      scf.if %cond3A_72 {
        %eq3A_74 = vector.broadcast %broadcast_in_dim3A_52 : vector<1024x1xf32> to vector<1024x1024xf32>
        %eq3A_75 = arith.cmpf oeq, %select_n3A, %eq3A_74 : vector<1024x1024xf32>
        %jit3A_76 = arith.constant 65536 : i32
        %broadcast_in_dim3A_77 = vector.broadcast %jit3A_76 : i32 to vector<1024x1024xi32>
        %select_n3A_78 = arith.select %eq3A_75, %iota3A, %broadcast_in_dim3A_77 : vector<1024x1024xi1>, vector<1024x1024xi32>
        %reduce_min3A_79 = arith.constant dense<2147483647> : vector<1024xi32>
        %reduce_min3A_80 = vector.multi_reduction <minsi>, %select_n3A_78, %reduce_min3A_79 [1] : vector<1024x1024xi32> to vector<1024xi32>
        %broadcast_in_dim3A_81 = vector.shape_cast %reduce_min3A_80 : vector<1024xi32> to vector<1024x1xi32>
        %swap3A_82 = arith.constant 0 : index
        %swap3A_83 = arith.constant 0 : index
        %swap3A_84 = vector.load %arg9[%swap3A_82, %swap3A_83] : memref<1024x1xf32, #tpu.memory_space<vmem>>, vector<1024x1xf32>
        tpu.vector_store %arg9[%swap3A_82, %swap3A_83], %broadcast_in_dim3A_52 {strides = array<i32>} : memref<1024x1xf32, #tpu.memory_space<vmem>>, vector<1024x1xf32>,
        %swap3A_85 = arith.constant 0 : index
        %swap3A_86 = arith.constant 0 : index
        %swap3A_87 = vector.load %arg10[%swap3A_85, %swap3A_86] : memref<1024x1xi32, #tpu.memory_space<vmem>>, vector<1024x1xi32>
        tpu.vector_store %arg10[%swap3A_85, %swap3A_86], %broadcast_in_dim3A_81 {strides = array<i32>} : memref<1024x1xi32, #tpu.memory_space<vmem>>, vector<1024x1xi32>,
        %eq3A_88 = vector.broadcast %broadcast_in_dim3A_57 : vector<1024x1xf32> to vector<1024x16xf32>
        %eq3A_89 = arith.cmpf oeq, %get3A_55, %eq3A_88 : vector<1024x16xf32>
        %jit3A_90 = arith.constant 16 : i32
        %broadcast_in_dim3A_91 = vector.broadcast %jit3A_90 : i32 to vector<1024x16xi32>
        %select_n3A_92 = arith.select %eq3A_89, %iota3A_15, %broadcast_in_dim3A_91 : vector<1024x16xi1>, vector<1024x16xi32>
        %reduce_min3A_93 = arith.constant dense<2147483647> : vector<1024xi32>
        %reduce_min3A_94 = vector.multi_reduction <minsi>, %select_n3A_92, %reduce_min3A_93 [1] : vector<1024x16xi32> to vector<1024xi32>
        %broadcast_in_dim3A_95 = vector.shape_cast %reduce_min3A_94 : vector<1024xi32> to vector<1024x1xi32>
        %eq3A_96 = vector.broadcast %broadcast_in_dim3A_95 : vector<1024x1xi32> to vector<1024x16xi32>
        %eq3A_97 = arith.cmpi eq, %iota3A_15, %eq3A_96 : vector<1024x16xi32>
        %and3A_98 = vector.broadcast %gt3A_58 : vector<1024x1xi1> to vector<1024x16xi1>
        %and3A_99 = arith.andi %and3A_98, %eq3A_97 : vector<1024x16xi1>
        %broadcast_in_dim3A_100 = vector.shape_cast %broadcast_in_dim3A_52 : vector<1024x1xf32> to vector<1024x1xf32>
        %broadcast_in_dim3A_101 = vector.broadcast %broadcast_in_dim3A_100 : vector<1024x1xf32> to vector<1024x16xf32>
        %select_n3A_102 = arith.select %and3A_99, %broadcast_in_dim3A_101, %get3A_55 : vector<1024x16xi1>, vector<1024x16xf32>
        %swap3A_103 = arith.constant 0 : index
        %swap3A_104 = arith.constant 0 : index
        %swap3A_105 = vector.load %arg7[%swap3A_103, %swap3A_104] : memref<1024x16xf32, #tpu.memory_space<vmem>>, vector<1024x16xf32>
        tpu.vector_store %arg7[%swap3A_103, %swap3A_104], %select_n3A_102 {strides = array<i32>} : memref<1024x16xf32, #tpu.memory_space<vmem>>, vector<1024x16xf32>,
        %add3A_106 = vector.broadcast %mul3A_17 : i32 to vector<1024x1xi32>
        %add3A_107 = arith.addi %add3A_106, %broadcast_in_dim3A_81 : vector<1024x1xi32>
        %get3A_108 = arith.constant 0 : index
        %get3A_109 = arith.constant 0 : index
        %get3A_110 = vector.load %arg8[%get3A_108, %get3A_109] : memref<1024x16xi32, #tpu.memory_space<vmem>>, vector<1024x16xi32>
        %broadcast_in_dim3A_111 = vector.shape_cast %add3A_107 : vector<1024x1xi32> to vector<1024x1xi32>
        %broadcast_in_dim3A_112 = vector.broadcast %broadcast_in_dim3A_111 : vector<1024x1xi32> to vector<1024x16xi32>
        %select_n3A_113 = arith.select %and3A_99, %broadcast_in_dim3A_112, %get3A_110 : vector<1024x16xi1>, vector<1024x16xi32>
        %swap3A_114 = arith.constant 0 : index
        %swap3A_115 = arith.constant 0 : index
        %swap3A_116 = vector.load %arg8[%swap3A_114, %swap3A_115] : memref<1024x16xi32, #tpu.memory_space<vmem>>, vector<1024x16xi32>
        tpu.vector_store %arg8[%swap3A_114, %swap3A_115], %select_n3A_113 {strides = array<i32>} : memref<1024x16xi32, #tpu.memory_space<vmem>>, vector<1024x16xi32>,
      } else {
      }
      %add3A = arith.constant 1 : i32
      %add3A_73 = arith.addi %while3A_35, %add3A : i32
      scf.yield %add3A_73, %reduce_or3A_69 : i32, i1
    }
    %eq3A_30 = arith.constant 63 : i32
    %eq3A_31 = arith.cmpi eq, %arg0, %eq3A_30 : i32
    %convert_element_type3A_32 = arith.extui %eq3A_31 : i1 to i32
    %cond3A_33 = arith.constant 0 : i32
    %cond3A_34 = arith.cmpi ne, %convert_element_type3A_32, %cond3A_33 : i32
    scf.if %cond3A_34 {
      %get3A_35 = arith.constant 0 : index
      %get3A_36 = arith.constant 0 : index
      %get3A_37 = vector.load %arg7[%get3A_35, %get3A_36] : memref<1024x16xf32, #tpu.memory_space<vmem>>, vector<1024x16xf32>
      %reduce_max3A = arith.constant dense<0xFF800000> : vector<1024xf32>
      %reduce_max3A_38 = vector.multi_reduction <maximumf>, %get3A_37, %reduce_max3A [1] : vector<1024x16xf32> to vector<1024xf32>
      %broadcast_in_dim3A_39 = vector.shape_cast %reduce_max3A_38 : vector<1024xf32> to vector<1024x1xf32>
      %sub3A = vector.broadcast %broadcast_in_dim3A_39 : vector<1024x1xf32> to vector<1024x16xf32>
      %sub3A_40 = arith.subf %get3A_37, %sub3A : vector<1024x16xf32>
      %exp3A = math.exp %sub3A_40 : vector<1024x16xf32>
      %reduce_sum3A_41 = arith.constant dense<0.000000e+00> : vector<1024xf32>
      %reduce_sum3A_42 = vector.multi_reduction <add>, %exp3A, %reduce_sum3A_41 [1] : vector<1024x16xf32> to vector<1024xf32>
      %broadcast_in_dim3A_43 = vector.shape_cast %reduce_sum3A_42 : vector<1024xf32> to vector<1024x1xf32>
      %div3A = vector.broadcast %broadcast_in_dim3A_43 : vector<1024x1xf32> to vector<1024x16xf32>
      %div3A_44 = arith.divf %exp3A, %div3A : vector<1024x16xf32>
      %broadcast_in_dim3A_45 = vector.shape_cast %div3A_44 : vector<1024x16xf32> to vector<1024x16x1xf32>
      %broadcast_in_dim3A_46 = vector.shape_cast %broadcast_in_dim3A_45 : vector<1024x16x1xf32> to vector<1024x16x1xf32>
      %broadcast_in_dim3A_47 = vector.broadcast %broadcast_in_dim3A_46 : vector<1024x16x1xf32> to vector<1024x16x16xf32>
      %swap3A_48 = arith.constant 0 : index
      %swap3A_49 = arith.constant 0 : index
      %swap3A_50 = arith.constant 0 : index
      %swap3A_51 = vector.load %arg3[%swap3A_48, %swap3A_49, %swap3A_50] : memref<1024x16x16xf32, #tpu.memory_space<vmem>>, vector<1024x16x16xf32>
      tpu.vector_store %arg3[%swap3A_48, %swap3A_49, %swap3A_50], %broadcast_in_dim3A_47 {strides = array<i32>} : memref<1024x16x16xf32, #tpu.memory_space<vmem>>, vector<1024x16x16xf32>,
      %get3A_52 = arith.constant 0 : index
      %get3A_53 = arith.constant 0 : index
      %get3A_54 = vector.load %arg8[%get3A_52, %get3A_53] : memref<1024x16xi32, #tpu.memory_space<vmem>>, vector<1024x16xi32>
      %swap3A_55 = arith.constant 0 : index
      %swap3A_56 = arith.constant 0 : index
      %swap3A_57 = vector.load %arg4[%swap3A_55, %swap3A_56] : memref<1024x16xi32, #tpu.memory_space<vmem>>, vector<1024x16xi32>
      tpu.vector_store %arg4[%swap3A_55, %swap3A_56], %get3A_54 {strides = array<i32>} : memref<1024x16xi32, #tpu.memory_space<vmem>>, vector<1024x16xi32>,
    } else {
    }
    return
  }
  func.func @transform_0(%arg0: i32) -> (i32, i32) {
    %c0_i32 = arith.constant 0 : i32
    %c0_i32_0 = arith.constant 0 : i32
    %c0_i32_1 = arith.constant 0 : i32
    return %c0_i32, %c0_i32_0 : i32, i32
  }
  func.func @transform_1(%arg0: i32) -> (i32, i32) {
    %c0_i32 = arith.constant 0 : i32
    %c0_i32_0 = arith.constant 0 : i32
    return %arg0, %c0_i32 : i32, i32
  }
  func.func @transform_2(%arg0: i32) -> (i32, i32, i32) {
    %c0_i32 = arith.constant 0 : i32
    %c0_i32_0 = arith.constant 0 : i32
    %c0_i32_1 = arith.constant 0 : i32
    %c0_i32_2 = arith.constant 0 : i32
    return %c0_i32, %c0_i32_0, %c0_i32_1 : i32, i32, i32
  }
  func.func @transform_3(%arg0: i32) -> (i32, i32) {
    %c0_i32 = arith.constant 0 : i32
    %c0_i32_0 = arith.constant 0 : i32
    %c0_i32_1 = arith.constant 0 : i32
    return %c0_i32, %c0_i32_0 : i32, i32
  }
}

</mosaic_0001>

<sc_bundles>
// kernel: kernel.5.cloned.1.call-start
scs
__scs_entry_jumppad:
0x0: {  	(pc) =	sbr.rel $0x88, $3  }
0x1: {  	(tag) =	ssettag $0x0;
	lr =	simm.s32 $0x1  }
0x2: {  	[smem:$0x3F9C] =	sst lr;
	_ =	strace $0xD0000000  }
0x3: {  	_ = 	snop  }
0x4: {  	_ = 	snop  }
0x5: {  	_ = 	snop  }
0x6: {  	_ = 	snop  }
0x7: {  	_ = 	snop  }
__scs_overlays_trampoline_lowered:
0x8: {  	[smem:$0x3FAB] =	sst s0  }
0x9: {  	[smem:$0x3FAC] =	sst s1  }
0xa: {  	[smem:$0x3FAD] =	sst s2  }
0xb: {  	[smem:$0x3FAE] =	sst s3  }
0xc: {  	[smem:$0x3FAF] =	sst s4  }
0xd: {  	[smem:$0x3FB0] =	sst s5  }
0xe: {  	[smem:$0x3FB1] =	sst s6  }
0xf: {  	[smem:$0x3FB2] =	sst s7  }
0x10: {  	[smem:$0x3FB3] =	sst s8  }
0x11: {  	[smem:$0x3FB4] =	sst s9;
	s0 =	simm.s32 @!p0 $0x0  }
0x12: {  	s1 =	sld [smem:$0x3F9A];
	s0 =	simm.s32 @p0 $0x1  }
0x13: {  	[smem:$0x3FB5] =	sst s0;
	s0 =	simm.s32 @!p1 $0x0  }
0x14: {  	s2 =	sld [smem:$0x3F99];
	s0 =	simm.s32 @p1 $0x1  }
0x15: {  	[smem:$0x3FB6] =	sst s0;
	s0 =	simm.s32 @!p2 $0x0  }
0x16: {  	s3 =	sld [smem:$0x3FDB];
	s0 =	simm.s32 @p2 $0x1  }
0x17: {  	s4 =	simm.s32 $0x1BF5;
	[smem:$0x3FB8] =	sst s0  }
0x18: {  	s0 =	sld [smem:$0x3F9B];
	_ =	swait.ge [sflag:s4], $0x0  }
0x19: {  	s7 =	sld [smem:$0x3F9C]  }
0x1a: {  	s8 =	sadd.s32 $0xFFFFE003, lr  }
0x1b: {  	s9 =	sadd.s32 $0xFFFFFEF7, lr;
	s5 =	simm.s32 $0xFFFFFFFF;
	p2 =	slt.u32 s8, $0xFFFFF086  }
0x1c: {  	p1 =	slt.u32 s9, $0xF7A;
	s5 =	simm.s32 @!p2 $0x0  }
0x1d: {  	s5 =	simm.s32 @p1 $0x1;
	p0 =	seq.s32 s7, s2  }
0x1e: {  	s7 =	smul.u32 @!p0 $0xF7A, s2;
	p2 =	seq.s32 @!p0 s5, $0x0  }
0x1f: {  	s9 =	smul.u32 $0xF7A, s1;
	s8 =	simm.s32 @!p0 $0x1BF5;
	p2 =	por !p2, p0  }
0x20: {  	[sflag:s8] =	ssyncset.s32 @!p0 $0xFFFFF086;
	s6 =	sadd.s32 @!p0 s3, s7;
	s7 =	simm.s32 @!p0 $0x108  }
0x21: {  	s3 =	sadd.s32 s3, s9;
	s6 =	sadd.s32 @!p0 $0x88, s6;
	s7 =	simm.s32 @p2 $0x1082  }
0x22: {  	[simem:s7], [sflag:s8] =	dma.local @!p0 [hbm:s6], $0xF7A  }
0x23: {  	s9 =	sor.u32 $0xD0000000, s2;
	s6 =	simm.s32 $0x108;
	_ =	swait.ge @!p0 [sflag:s8], $0x0  }
0x24: {  	s3 =	sadd.s32 $0x88, s3;
	s6 =	simm.s32 @!p1 $0x1082;
	[sflag:s4] =	ssyncset.s32 $0xFFFFF086  }
0x25: {  	[simem:s6], [sflag:s4] =	dma.local [hbm:s3], $0xF7A  }
0x26: {  	[smem:$0x3F9C] =	sst s1;
	(tag) =	ssettag s2;
	_ =	strace s9  }
0x27: {  	s1 =	sld [smem:$0x3FAC]  }
0x28: {  	s2 =	sld [smem:$0x3FAD]  }
0x29: {  	s4 =	sld [smem:$0x3FAF]  }
0x2a: {  	p0 =	seq.s32 s5, $0x0;
	s5 =	sld [smem:$0x3FB0]  }
0x2b: {  	s6 =	sld [smem:$0x3FB1]  }
0x2c: {  	s7 =	sld [smem:$0x3FB2]  }
0x2d: {  	s3 =	simm.s32 $0x108;
	s8 =	sld [smem:$0x3FB3]  }
0x2e: {  	s3 =	simm.s32 @!p0 $0x1082;
	s9 =	sld [smem:$0x3FB4]  }
0x2f: {  	lr =	sadd.s32 s0, s3;
	s0 =	sld [smem:$0x3FAB]  }
0x30: {  	s3 =	sld [smem:$0x3FAE]  }
0x31: {  	[smem:$0x3FB7] =	sst s10  }
0x32: {  	s10 =	sld [smem:$0x3FB5];
	_ =	sdelay $0x3  }
0x33: {  	p0 =	seq.s32 s10, $0x1;
	s10 =	sld [smem:$0x3FB7];
	_ =	sdelay $0x3  }
0x34: {  	[smem:$0x3FB7] =	sst s10  }
0x35: {  	s10 =	sld [smem:$0x3FB6];
	_ =	sdelay $0x3  }
0x36: {  	p1 =	seq.s32 s10, $0x1;
	s10 =	sld [smem:$0x3FB7];
	_ =	sdelay $0x3  }
0x37: {  	[smem:$0x3FB7] =	sst s10  }
0x38: {  	s10 =	sld [smem:$0x3FB8]  }
0x39: {  	_ = 	snop;
	(pc) =	sbr.ind lr, $3  }
0x3a: {  	_ = 	snop  }
0x3b: {  	_ = 	snop  }
0x3c: {  	p2 =	seq.s32 s10, $0x1;
	s10 =	sld [smem:$0x3FB7]  }
0x3d: {  	_ =	shalt  }
0x3e: {  	_ =	shalt  }
0x3f: {  	_ =	shalt  }
0x40: {  	_ =	shalt  }
0x41: {  	_ =	shalt  }
0x42: {  	_ =	shalt  }
0x43: {  	_ =	shalt  }
0x44: {  	_ =	shalt  }
0x45: {  	_ =	shalt  }
0x46: {  	_ =	shalt  }
0x47: {  	_ =	shalt  }
0x48: {  	_ =	shalt  }
0x49: {  	_ =	shalt  }
0x4a: {  	_ =	shalt  }
0x4b: {  	_ =	shalt  }
0x4c: {  	_ =	shalt  }
0x4d: {  	_ =	shalt  }
0x4e: {  	_ =	shalt  }
0x4f: {  	_ =	shalt  }
0x50: {  	_ =	shalt  }
0x51: {  	_ =	shalt  }
0x52: {  	_ =	shalt  }
0x53: {  	_ =	shalt  }
0x54: {  	_ =	shalt  }
0x55: {  	_ =	shalt  }
0x56: {  	_ =	shalt  }
0x57: {  	_ =	shalt  }
0x58: {  	_ =	shalt  }
0x59: {  	_ =	shalt  }
0x5a: {  	_ =	shalt  }
0x5b: {  	_ =	shalt  }
0x5c: {  	_ =	shalt  }
0x5d: {  	_ =	shalt  }
0x5e: {  	_ =	shalt  }
0x5f: {  	_ =	shalt  }
0x60: {  	_ =	shalt  }
0x61: {  	_ =	shalt  }
0x62: {  	_ =	shalt  }
0x63: {  	_ =	shalt  }
0x64: {  	_ =	shalt  }
0x65: {  	_ =	shalt  }
0x66: {  	_ =	shalt  }
0x67: {  	_ =	shalt  }
0x68: {  	_ =	shalt  }
0x69: {  	_ =	shalt  }
0x6a: {  	_ =	shalt  }
0x6b: {  	_ =	shalt  }
0x6c: {  	_ =	shalt  }
0x6d: {  	_ =	shalt  }
0x6e: {  	_ =	shalt  }
0x6f: {  	_ =	shalt  }
0x70: {  	_ =	shalt  }
0x71: {  	_ =	shalt  }
0x72: {  	_ =	shalt  }
0x73: {  	_ =	shalt  }
0x74: {  	_ =	shalt  }
0x75: {  	_ =	shalt  }
0x76: {  	_ =	shalt  }
0x77: {  	_ =	shalt  }
0x78: {  	_ =	shalt  }
0x79: {  	_ =	shalt  }
0x7a: {  	_ =	shalt  }
0x7b: {  	_ =	shalt  }
0x7c: {  	_ =	shalt  }
0x7d: {  	_ =	shalt  }
0x7e: {  	_ =	shalt  }
0x7f: {  	_ =	shalt  }
0x80: {  	_ =	shalt  }
0x81: {  	_ =	shalt  }
0x82: {  	_ =	shalt  }
0x83: {  	_ =	shalt  }
0x84: {  	_ =	shalt  }
0x85: {  	_ =	shalt  }
0x86: {  	_ =	shalt  }
0x87: {  	_ =	shalt  }
.Lfunc_end0:
.L_simem_size_0:
called_computation_lowered:
.L_overlay_start_0:
0x88: {  	s2 =	sld [smem:$0x3FD9]  }
0x89: {  	s3 =	sld [smem:$0x3FFE];
	_ =	sdelay $0x1  }
0x8a: {  	s1 =	srdreg.scid  }
0x8b: {  	s0 =	sand.u32 $0x1, s1  }
0x8c: {  	s17 =	sshll.u32 s0, $0xA;
	s2 =	sadd.s32 s3, s2  }
0x8d: {  	s2 =	sadd.s32 s2, s17  }
0x8e: {  	[smem:$0x3FC3] =	sst s2  }
0x8f: {  	_ = 	snop  }
0x90: {  	s2 =	sld [smem:$0x3FC8]  }
0x91: {  	s18 =	sld [smem:$0x3FD0];
	(tm) =	ssettm $0x1  }
0x92: {  	s4 =	sld [smem:$0x3FFB];
	_ =	sdelay $0x3  }
0x93: {  	_ =	strace s4  }
0x94: {  	s4 =	sld [smem:$0x3FFC];
	_ =	sdelay $0x3  }
0x95: {  	_ =	strace s4  }
0x96: {  	s4 =	sld [smem:$0x3FFD];
	_ =	sdelay $0x3  }
0x97: {  	_ =	strace s4  }
0x98: {  	_ =	strace $0x8FFFFFFF  }
0x99: {  	s19 =	sld [smem:$0x3FDB];
	_ =	sdelay $0x1  }
0x9a: {  	s5 =	simm.s32 $_scs_section_size  }
0x9b: {  	s6 =	simm.s32 $_size__tile_overlayer_lowered;
	s7 =	simm.s32 $_tile_overlayer_lowered  }
0x9c: {  	s22 =	simm.s32 $0x1BFF;
	s21 =	sshll.u32 s7, $0x1;
	s4 =	sadd.s32 s5, s19  }
0x9d: {  	s8 =	simm.s32 $0x0;
	s20 =	sshll.u32 s6, $0x1;
	s6 =	sadd.s32 s21, s4  }
0x9e: {  	[timem:s8], [sflag:s22] =	dma.local [hbm:s6], s20  }
0x9f: {  	_ =	swait.ge [sflag:s22], s20  }
0xa0: {  	s5 =	ssub.s32 $0x0, s20;
	[sflag:s22] =	ssyncset.done $0x0  }
0xa1: {  	[sflag:s22] =	ssyncadd.s32 s5;
	_ =	sdelay $0x1  }
0xa2: {  	s23 =	simm.s32 $0x1B8B  }
0xa3: {  	_ =	swait.ge [sflag:s23], $0x1  }
0xa4: {  	[sflag:s23] =	ssyncset.done $0x0  }
0xa5: {  	s25 =	simm.s32 $0x1B8E;
	s24 =	sld [smem:$0x3FFE];
	[sflag:s23] =	ssyncadd.s32 $0xFFFFFFFF  }
0xa6: {  	s26 =	simm.s32 $execute0_lowered;
	[smem:$0x3FD2] =	sst s25  }
0xa7: {  	s6 =	sshll.u32 s26, $0x1;
	_ =	strace $0x80000046;
	[dreg:$0x1] =	wrdreg $0xFFFFFFFF  }
0xa8: {  	s28 =	simm.s32 $_size_execute0_lowered;
	s4 =	sadd.s32 s4, s6;
	[dreg:$0x0] =	wrdreg $0x0  }
0xa9: {  	s6 =	sshll.u32 s28, $0x1;
	[dreg:$0x2] =	wrdreg s4  }
0xaa: {  	[dreg:$0x3] =	wrdreg s6  }
0xab: {  	[dreg:$0x4] =	wrdreg $0xC0  }
0xac: {  	_ =	task [dreg:s8], $0x5FFFF  }
0xad: {  	[dreg:$0x1] =	wrdreg $0xFFFFFFFF  }
0xae: {  	[dreg:$0x0] =	wrdreg $0x60  }
0xaf: {  	[dreg:$0x2] =	wrdreg s2  }
0xb0: {  	[dreg:$0x3] =	wrdreg s24  }
0xb1: {  	[dreg:$0x4] =	wrdreg s18  }
0xb2: {  	[dreg:$0x5] =	wrdreg $0x9  }
0xb3: {  	_ =	task.clear_ibuf [dreg:s8], $0x6FFFF;
	_ =	strace $0x90000046  }
0xb4: {  	s29 =	simm.s32 $0x9;
	_ =	strace $0x80000048  }
0xb5: {  	_ =	swait.ge [sflag:s29], $0x1  }
0xb6: {  	[sflag:s29] =	ssyncadd.s32 $0xFFFFFFFF  }
0xb7: {  	_ =	strace $0x90000048  }
0xb8: {  	_ =	sfence  }
0xb9: {  	s30 =	sld [smem:$0x0];
	_ =	sdelay $0x2  }
0xba: {  	s31 =	sshll.u32 s1, $0xD;
	s1 =	sshrl.u32 s1, $0x2  }
0xbb: {  	s3 =	sand.u32 $0x4000, s31;
	s1 =	sadd.s32 s1, s30  }
0xbc: {  	s0 =	sor.u32 s3, s0;
	s1 =	sshll.u32 s1, $0x11  }
0xbd: {  	s0 =	sor.u32 s1, s0  }
0xbe: {  	s0 =	sadd.s32 $0x8F2B, s0  }
0xbf: {  	[sflag:s0] =	ssyncadd.remote.s32 $0x1  }
0xc0: {  	_ =	sfence.sel $0xFFFF  }
0xc1: {  	[dreg:$0x0] =	wrdreg $0xFFFFFFFF;
	(pc) =	sbr.abs _section_cstart, $3  }
0xc2: {  	[dreg:$0x1] =	wrdreg $0xFFFFFFFF  }
0xc3: {  	_ =	task.clear_ibuf [dreg:s8], $0x2FFFF;
	_ =	strace $0x9FFFFFFF  }
0xc4: {  	(tm) =	ssettm $0x7FFFFFFF  }
0xc5: {  	_ =	shalt  }
tec
execute0_lowered:
.L_overlay_start_1:
0x0: {  	(tag) =	ssettag $0x1  }
0x1: {  	s1 =	rddreg [dreg:$0x0]  }
0x2: {  	s0 =	rddreg [dreg:$0x1]  }
0x3: {  	s3 =	rddreg [dreg:$0x2];
	s2 =	srdreg.scid  }
0x4: {  	s5 =	stileid.u32;
	s4 =	simm.s32 $0x0;
	s12 =	simm.s32 $0x3  }
0x5: {  	s17 =	simm.s32 $0x12800;
	s18 =	simm.s32 $0x13000;
	s19 =	simm.s32 $0x13800  }
0x6: {  	s20 =	simm.s32 $0x14000;
	s21 =	simm.s32 $0x14800;
	s22 =	simm.s32 $0x1  }
0x7: {  	s23 =	simm.s32 $0x2;
	s24 =	simm.s32 $0x0;
	s2 =	sand.u32 $0x1, s2  }
0x8: {  	s5 =	sshll.u32 s5, $0x6;
	[smem:$0x7FF] =	sst s4;
	s9 =	sadd.s32 $0x200, s1  }
0x9: {  	s10 =	sadd.s32 $0x300, s1;
	s6 =	sshll.u32 s2, $0x5;
	s2 =	ssub.s32 $0x2, s2  }
0xa: {  	_ =	strace $0x80000047;
	s5 =	sor.u32 s6, s5;
	s8 =	sshrl.u32 s2, $0x1  }
0xb: {  	v2 =	vlaneseq.u32;
	s6 =	sshll.u32 s5, $0x4;
	s7 =	sshll.u32 s5, $0x8;
	s2 =	ssub.s32 s2, s8  }
0xc: {  	vm0 =	vmmov $0xffff;
	v1 =	vshrl.u32 v2, $0x3;
	s8 =	sadd.s32 $0x100, s1;
	s6 =	sadd.s32 s6, s0;
	s0 =	sadd.s32 s7, s0  }
0xd: {  	v0 =	vand.u32 $0x7, v2;
	v2 =	vor.u32 $0x8, v2;
	v1 =	vmul.u32 $0x8, v1;
	s11 =	smax.u32 s2, $0x1;
	s6 =	sadd.s32 $0x41600, s6;
	s7 =	sadd.s32 $0x1600, s0  }
.LBB2_1:
0xe: {  	[tilespmem:s4], [sflag:$0x3] =	stream.linear.gather [hbm4b:s6+s4], $0x1000, $0x38;
	[tilespmem:$0x19800] =	vst v63  }
0xf: {  	_ =	swait.ge [sflag:s12], $0x1000  }
0x10: {  	[sflag:s12] =	ssyncset.done $0x0  }
0x11: {  	s0 =	simm.s32 $0x1000;
	[sflag:s12] =	ssyncadd.s32 $0xFFFFF000  }
0x12: {  	[tilespmem:s0], [sflag:$0x3] =	stream.linear.gather [hbm4b:s7+s4], $0x10000, $0x38;
	[tilespmem:$0x19800] =	vst v63  }
0x13: {  	_ =	swait.ge [sflag:s12], $0x10000  }
0x14: {  	[sflag:s12] =	ssyncset.done $0x0  }
0x15: {  	[sflag:s12] =	ssyncadd.s32 $0xFFFF0000  }
0x16: {  	v3 =	vld [tilespmem:$0x0];
	_ =	sdelay $0x4  }
0x17: {  	v4 =	vshll.u32 v3, $0x3  }
0x18: {  	v3 =	vand.u32 $0x7, v3;
	v4 =	vand.u32 $0xFFFFFFC0, v4  }
0x19: {  	v3 =	vor.u32 v3, v4  }
0x1a: {  	v4 =	vperm.xlane v3, v0;
	_ =	sdelay $0x1  }
0x1b: {  	v4 =	vadd.s32 v1, v4;
	_ =	sdelay $0x3  }
0x1c: {  	s29 =	simm.s32 $0x11000  }
0x1d: {  	[tilespmem:s29], [sflag:$0x1] =	stream.indirect_vreg.gather [hbm4b:s1+s4], $0x80, v4, vm0, $0xb8;
	[tilespmem:$0x19800] =	vst v63  }
0x1e: {  	s30 =	simm.s32 $0x11800;
	v3 =	vperm.xlane v3, v2  }
0x1f: {  	[tilespmem:s30], [sflag:$0x1] =	stream.indirect_vreg.gather [hbm4b:s8+s4], $0x80, v4, vm0, $0xb8;
	[tilespmem:$0x19800] =	vst v63  }
0x20: {  	s31 =	simm.s32 $0x12000;
	v3 =	vadd.s32 v1, v3  }
0x21: {  	[tilespmem:s31], [sflag:$0x1] =	stream.indirect_vreg.gather [hbm4b:s9+s4], $0x80, v4, vm0, $0xb8;
	[tilespmem:$0x19800] =	vst v63  }
0x22: {  	_ = 	snop  }
0x23: {  	[tilespmem:s17], [sflag:$0x1] =	stream.indirect_vreg.gather [hbm4b:s10+s4], $0x80, v4, vm0, $0xb8;
	[tilespmem:$0x19800] =	vst v63  }
0x24: {  	_ = 	snop  }
0x25: {  	[tilespmem:s18], [sflag:$0x1] =	stream.indirect_vreg.gather [hbm4b:s1+s4], $0x80, v3, vm0, $0xb8;
	[tilespmem:$0x19800] =	vst v63  }
0x26: {  	_ = 	snop  }
0x27: {  	[tilespmem:s19], [sflag:$0x1] =	stream.indirect_vreg.gather [hbm4b:s8+s4], $0x80, v3, vm0, $0xb8;
	[tilespmem:$0x19800] =	vst v63  }
0x28: {  	_ = 	snop  }
0x29: {  	[tilespmem:s20], [sflag:$0x1] =	stream.indirect_vreg.gather [hbm4b:s9+s4], $0x80, v3, vm0, $0xb8;
	[tilespmem:$0x19800] =	vst v63  }
0x2a: {  	s26 =	simm.s32 $0x0  }
0x2b: {  	[tilespmem:s21], [sflag:$0x1] =	stream.indirect_vreg.gather [hbm4b:s10+s4], $0x80, v3, vm0, $0xb8;
	[tilespmem:$0x19800] =	vst v63  }
.LBB2_2:
0x2c: {  	s25 =	sadd.s32 $0x1, s26;
	p0 =	seq.s32 s26, $0x1F  }
0x2d: {  	s0 =	sshll.u32 @!p0 s25, $0x7  }
0x2e: {  	s0 =	sand.u32 @!p0 $0x3FFFFF80, s0  }
0x2f: {  	v3 =	vld @!p0 [tilespmem:s0+$0x0];
	_ =	sdelay $0x4  }
0x30: {  	v4 =	vshll.u32 @!p0 v3, $0x3  }
0x31: {  	v5 =	vlaneseq.u32 @!p0;
	v3 =	vand.u32 @!p0 $0x7, v3;
	v4 =	vand.u32 @!p0 $0xFFFFFFC0, v4  }
0x32: {  	v6 =	vshrl.u32 @!p0 v5, $0x3;
	v3 =	vor.u32 @!p0 v3, v4;
	v4 =	vand.u32 @!p0 $0x7, v5  }
0x33: {  	v6 =	vmul.u32 @!p0 $0x8, v6;
	v4 =	vperm.xlane @!p0 v3, v4;
	_ =	sdelay $0x1  }
0x34: {  	v4 =	vadd.s32 @!p0 v6, v4;
	_ =	sdelay $0x1  }
0x35: {  	s0 =	sand.u32 $0x1, s26  }
0x36: {  	s2 =	sshll.u32 @!p0 s0, $0xE  }
0x37: {  	vm1 =	vmmov @!p0 $0xffff;
	s14 =	simm.s32 @!p0 $0x0;
	s13 =	sxor.u32 @!p0 $0x15000, s2  }
0x38: {  	v5 =	vor.u32 @!p0 $0x8, v5;
	[tilespmem:s13], [sflag:$0x1] =	stream.indirect_vreg.gather @!p0 [hbm4b:s1+s14], $0x80, v4, vm1, $0xb8;
	[tilespmem:$0x19800] =	vst v63  }
0x39: {  	v3 =	vperm.xlane @!p0 v3, v5;
	s13 =	sxor.u32 @!p0 $0x15800, s2  }
0x3a: {  	[tilespmem:s13], [sflag:$0x1] =	stream.indirect_vreg.gather @!p0 [hbm4b:s8+s14], $0x80, v4, vm1, $0xb8;
	[tilespmem:$0x19800] =	vst v63  }
0x3b: {  	v3 =	vadd.s32 @!p0 v6, v3;
	s13 =	sxor.u32 @!p0 $0x16000, s2  }
0x3c: {  	[tilespmem:s13], [sflag:$0x1] =	stream.indirect_vreg.gather @!p0 [hbm4b:s9+s14], $0x80, v4, vm1, $0xb8;
	[tilespmem:$0x19800] =	vst v63  }
0x3d: {  	s13 =	sxor.u32 @!p0 $0x16800, s2  }
0x3e: {  	[tilespmem:s13], [sflag:$0x1] =	stream.indirect_vreg.gather @!p0 [hbm4b:s10+s14], $0x80, v4, vm1, $0xb8;
	[tilespmem:$0x19800] =	vst v63  }
0x3f: {  	s13 =	sxor.u32 @!p0 $0x17000, s2  }
0x40: {  	[tilespmem:s13], [sflag:$0x1] =	stream.indirect_vreg.gather @!p0 [hbm4b:s1+s14], $0x80, v3, vm1, $0xb8;
	[tilespmem:$0x19800] =	vst v63  }
0x41: {  	s13 =	sxor.u32 @!p0 $0x17800, s2  }
0x42: {  	[tilespmem:s13], [sflag:$0x1] =	stream.indirect_vreg.gather @!p0 [hbm4b:s8+s14], $0x80, v3, vm1, $0xb8;
	[tilespmem:$0x19800] =	vst v63  }
0x43: {  	s13 =	ssub.s32 @!p0 $0x18000, s2  }
0x44: {  	[tilespmem:s13], [sflag:$0x1] =	stream.indirect_vreg.gather @!p0 [hbm4b:s9+s14], $0x80, v3, vm1, $0xb8;
	[tilespmem:$0x19800] =	vst v63  }
0x45: {  	s15 =	sshll.u32 s26, $0x7;
	s2 =	ssub.s32 @!p0 $0x18800, s2  }
0x46: {  	[tilespmem:s2], [sflag:$0x1] =	stream.indirect_vreg.gather @!p0 [hbm4b:s10+s14], $0x80, v3, vm1, $0xb8;
	[tilespmem:$0x19800] =	vst v63  }
0x47: {  	s28 =	sand.u32 $0x80, s15;
	_ =	swait.ge [sflag:s22], $0x4000  }
0x48: {  	s0 =	sshll.u32 s0, $0xE;
	p0 =	slt.u32 s26, $0x2;
	[sflag:s22] =	ssyncset.done $0x0  }
0x49: {  	s14 =	sshll.u32 s26, $0xB;
	s2 =	simm.s32 @!p0 $0x2;
	[sflag:s22] =	ssyncadd.s32 $0xFFFFC000  }
0x4a: {  	s13 =	simm.s32 $0x0;
	s31 =	sand.u32 $0x3FFFF800, s14;
	_ =	swait.ge @!p0 [sflag:s2], $0x400  }
0x4b: {  	s14 =	sor.u32 $0x11000, s0;
	s0 =	sand.u32 $0x1C00, s13;
	[sflag:s2] =	ssyncset.done @!p0 $0x0  }
0x4c: {  	s30 =	sand.u32 $0x70, s13;
	s16 =	sadd.s32 s0, s14;
	[sflag:s2] =	ssyncadd.s32 @!p0 $0xFFFFFC00  }
0x4d: {  	s15 =	simm.s32 $0x80;
	s29 =	sor.u32 $0x19000, s28;
	s2 =	sadd.s32 s30, s16;
	v3 =	vld [tilespmem:s31+$0x1000]  }
.LBB2_3:
0x4e: {  	p0 =	sne.s32 s15, $0x1F80;
	v4 =	vld [tilespmem:s2+$0x0]  }
0x4f: {  	v5 =	vld [tilespmem:s2+$0x80]  }
0x50: {  	v6 =	vld [tilespmem:s31+$0x1080]  }
0x51: {  	v7 =	vld [tilespmem:s2+$0x100]  }
0x52: {  	v8 =	vld [tilespmem:s31+$0x1100]  }
0x53: {  	v9 =	vld [tilespmem:s2+$0x180]  }
0x54: {  	v10 =	vld [tilespmem:s31+$0x1180]  }
0x55: {  	v3 =	vmul.f32 v3, v4;
	v4 =	vmul.f32 v6, v5;
	v5 =	vld [tilespmem:s2+$0x200]  }
0x56: {  	v6 =	vld [tilespmem:s31+$0x1200]  }
0x57: {  	v3 =	vadd.f32 v4, v3;
	v4 =	vmul.f32 v8, v7;
	v7 =	vld [tilespmem:s2+$0x280]  }
0x58: {  	v8 =	vld [tilespmem:s31+$0x1280]  }
0x59: {  	v3 =	vadd.f32 v4, v3;
	v4 =	vmul.f32 v10, v9;
	v9 =	vld [tilespmem:s2+$0x300]  }
0x5a: {  	v10 =	vld [tilespmem:s31+$0x1300]  }
0x5b: {  	v3 =	vadd.f32 v4, v3;
	v4 =	vmul.f32 v6, v5;
	v5 =	vld [tilespmem:s2+$0x380]  }
0x5c: {  	v6 =	vld [tilespmem:s31+$0x1380]  }
0x5d: {  	v3 =	vadd.f32 v4, v3;
	v4 =	vmul.f32 v8, v7;
	v7 =	vld [tilespmem:s2+$0x2000]  }
0x5e: {  	v8 =	vld [tilespmem:s31+$0x1400]  }
0x5f: {  	v3 =	vadd.f32 v4, v3;
	v4 =	vmul.f32 v10, v9;
	v9 =	vld [tilespmem:s2+$0x2080]  }
0x60: {  	v10 =	vld [tilespmem:s31+$0x1480]  }
0x61: {  	v3 =	vadd.f32 v4, v3;
	v4 =	vmul.f32 v6, v5;
	v5 =	vld [tilespmem:s2+$0x2100]  }
0x62: {  	v6 =	vld [tilespmem:s31+$0x1500]  }
0x63: {  	v3 =	vadd.f32 v4, v3;
	v4 =	vmul.f32 v8, v7;
	v7 =	vld [tilespmem:s2+$0x2180]  }
0x64: {  	v8 =	vld [tilespmem:s31+$0x1580]  }
0x65: {  	v3 =	vadd.f32 v4, v3;
	v4 =	vmul.f32 v10, v9;
	v9 =	vld [tilespmem:s2+$0x2200]  }
0x66: {  	v10 =	vld [tilespmem:s31+$0x1600]  }
0x67: {  	v3 =	vadd.f32 v4, v3;
	v4 =	vmul.f32 v6, v5;
	v5 =	vld [tilespmem:s2+$0x2280]  }
0x68: {  	v6 =	vld [tilespmem:s31+$0x1680]  }
0x69: {  	v3 =	vadd.f32 v4, v3;
	v4 =	vmul.f32 v8, v7;
	v7 =	vld [tilespmem:s2+$0x2300]  }
0x6a: {  	v8 =	vld [tilespmem:s31+$0x1700]  }
0x6b: {  	v3 =	vadd.f32 v4, v3;
	v4 =	vmul.f32 v10, v9;
	v9 =	vld [tilespmem:s2+$0x2380]  }
0x6c: {  	v10 =	vld [tilespmem:s31+$0x1780]  }
0x6d: {  	v3 =	vadd.f32 v4, v3;
	v4 =	vmul.f32 v6, v5;
	_ =	sdelay $0x1  }
0x6e: {  	v3 =	vadd.f32 v4, v3;
	v4 =	vmul.f32 v8, v7;
	_ =	sdelay $0x1  }
0x6f: {  	v3 =	vadd.f32 v4, v3;
	v4 =	vmul.f32 v10, v9  }
.Ltmp0:
0x70: {  	s0 =	sshrl.u32 s0, $0x2;
	(pc) =	sbr.rel @p0 .LBB2_3-.Ltmp0, $4  }
0x71: {  	s2 =	sadd.s32 s0, s29;
	v3 =	vadd.f32 v4, v3  }
0x72: {  	s13 =	sadd.s32 $0x10, s13;
	s0 =	sand.u32 $0x1C00, s15;
	s2 =	sadd.s32 s30, s2  }
0x73: {  	s30 =	sand.u32 $0x70, s13;
	s16 =	sadd.s32 s0, s14;
	[tilespmem:s2+$0x0] =	vst v3  }
0x74: {  	s15 =	sadd.s32 $0x80, s15;
	s2 =	sadd.s32 s30, s16;
	v3 =	vld [tilespmem:s31+$0x1000]  }
0x75: {  	v4 =	vld [tilespmem:s2+$0x0]  }
0x76: {  	v5 =	vld [tilespmem:s2+$0x80]  }
0x77: {  	v6 =	vld [tilespmem:s31+$0x1080]  }
0x78: {  	v7 =	vld [tilespmem:s2+$0x100]  }
0x79: {  	v8 =	vld [tilespmem:s31+$0x1100]  }
0x7a: {  	v9 =	vld [tilespmem:s2+$0x180]  }
0x7b: {  	v10 =	vld [tilespmem:s31+$0x1180]  }
0x7c: {  	v26 =	vld [tilespmem:s2+$0x200];
	v3 =	vmul.f32 v3, v4;
	v25 =	vmul.f32 v6, v5  }
0x7d: {  	v27 =	vld [tilespmem:s31+$0x1200]  }
0x7e: {  	v29 =	vld [tilespmem:s2+$0x280];
	v28 =	vmul.f32 v8, v7;
	v3 =	vadd.f32 v25, v3  }
0x7f: {  	v30 =	vld [tilespmem:s31+$0x1280]  }
0x80: {  	v32 =	vld [tilespmem:s2+$0x300];
	v31 =	vmul.f32 v10, v9;
	v3 =	vadd.f32 v28, v3  }
0x81: {  	v33 =	vld [tilespmem:s31+$0x1300]  }
0x82: {  	v35 =	vld [tilespmem:s2+$0x380];
	v34 =	vmul.f32 v27, v26;
	v3 =	vadd.f32 v31, v3  }
0x83: {  	v36 =	vld [tilespmem:s31+$0x1380]  }
0x84: {  	v38 =	vld [tilespmem:s2+$0x2000];
	v37 =	vmul.f32 v30, v29;
	v3 =	vadd.f32 v34, v3  }
0x85: {  	v39 =	vld [tilespmem:s31+$0x1400]  }
0x86: {  	v41 =	vld [tilespmem:s2+$0x2080];
	v40 =	vmul.f32 v33, v32;
	v3 =	vadd.f32 v37, v3  }
0x87: {  	v42 =	vld [tilespmem:s31+$0x1480]  }
0x88: {  	v44 =	vld [tilespmem:s2+$0x2100];
	v43 =	vmul.f32 v36, v35;
	v3 =	vadd.f32 v40, v3  }
0x89: {  	v45 =	vld [tilespmem:s31+$0x1500]  }
0x8a: {  	v47 =	vld [tilespmem:s2+$0x2180];
	v46 =	vmul.f32 v39, v38;
	v3 =	vadd.f32 v43, v3  }
0x8b: {  	v48 =	vld [tilespmem:s31+$0x1580]  }
0x8c: {  	v50 =	vld [tilespmem:s2+$0x2200];
	v49 =	vmul.f32 v42, v41;
	v3 =	vadd.f32 v46, v3  }
0x8d: {  	v51 =	vld [tilespmem:s31+$0x1600]  }
0x8e: {  	v53 =	vld [tilespmem:s2+$0x2280];
	v52 =	vmul.f32 v45, v44;
	v3 =	vadd.f32 v49, v3  }
0x8f: {  	v54 =	vld [tilespmem:s31+$0x1680]  }
0x90: {  	v56 =	vld [tilespmem:s2+$0x2300];
	v55 =	vmul.f32 v48, v47;
	v3 =	vadd.f32 v52, v3  }
0x91: {  	v57 =	vld [tilespmem:s31+$0x1700]  }
0x92: {  	v59 =	vld [tilespmem:s2+$0x2380];
	v58 =	vmul.f32 v51, v50;
	v3 =	vadd.f32 v55, v3  }
0x93: {  	v60 =	vld [tilespmem:s31+$0x1780]  }
0x94: {  	v61 =	vmul.f32 v54, v53;
	v3 =	vadd.f32 v58, v3;
	_ =	sdelay $0x1  }
0x95: {  	v62 =	vmul.f32 v57, v56;
	v3 =	vadd.f32 v61, v3;
	_ =	sdelay $0x1  }
0x96: {  	v63 =	vmul.f32 v60, v59;
	v3 =	vadd.f32 v62, v3  }
0x97: {  	s0 =	sshrl.u32 s0, $0x2;
	s15 =	sadd.s32 s5, s26;
	s13 =	sshll.u32 s26, $0x4  }
0x98: {  	s0 =	sadd.s32 s0, s29;
	s2 =	sshll.u32 s15, $0x7;
	s13 =	sand.u32 $0x70, s13;
	v3 =	vadd.f32 v63, v3  }
0x99: {  	s0 =	sadd.s32 s30, s0;
	s2 =	sand.u32 $0x1FC00, s2;
	s13 =	sadd.s32 s3, s13  }
0x9a: {  	[tilespmem:s0+$0x0] =	vst v3;
	s0 =	sadd.s32 s2, s13  }
0x9b: {  	[hbm4b:s0+s4] =	stream.linear.scatter [tilespmem:s29], [sflag:$0x2], $0x80, $0x38;
	[tilespmem:$0x19800] =	vst v63  }
0x9c: {  	s16 =	sor.u32 $0x19100, s28;
	s13 =	sadd.s32 $0x80, s0  }
0x9d: {  	[hbm4b:s13+s4] =	stream.linear.scatter [tilespmem:s16], [sflag:$0x2], $0x80, $0x38;
	[tilespmem:$0x19800] =	vst v63  }
0x9e: {  	s26 =	sor.u32 $0x19200, s28;
	s29 =	sadd.s32 $0x100, s0  }
0x9f: {  	[hbm4b:s29+s4] =	stream.linear.scatter [tilespmem:s26], [sflag:$0x2], $0x80, $0x38;
	[tilespmem:$0x19800] =	vst v63  }
0xa0: {  	s30 =	sor.u32 $0x19300, s28;
	s31 =	sadd.s32 $0x180, s0  }
0xa1: {  	[hbm4b:s31+s4] =	stream.linear.scatter [tilespmem:s30], [sflag:$0x2], $0x80, $0x38;
	[tilespmem:$0x19800] =	vst v63  }
0xa2: {  	s14 =	sor.u32 $0x19400, s28;
	s15 =	sadd.s32 $0x200, s0  }
0xa3: {  	[hbm4b:s15+s4] =	stream.linear.scatter [tilespmem:s14], [sflag:$0x2], $0x80, $0x38;
	[tilespmem:$0x19800] =	vst v63  }
0xa4: {  	p0 =	sne.s32 s25, $0x20;
	s16 =	sor.u32 $0x19500, s28;
	s26 =	sadd.s32 $0x280, s0  }
0xa5: {  	[hbm4b:s26+s4] =	stream.linear.scatter [tilespmem:s16], [sflag:$0x2], $0x80, $0x38;
	[tilespmem:$0x19800] =	vst v63  }
.Ltmp1:
0xa6: {  	_ = 	snop;
	(pc) =	sbr.rel @p0 .LBB2_2-.Ltmp1, $4  }
0xa7: {  	s29 =	sor.u32 $0x19600, s28;
	s30 =	sadd.s32 $0x300, s0  }
0xa8: {  	[hbm4b:s30+s4] =	stream.linear.scatter [tilespmem:s29], [sflag:$0x2], $0x80, $0x38;
	[tilespmem:$0x19800] =	vst v63  }
0xa9: {  	s31 =	sor.u32 $0x19700, s28;
	s0 =	sadd.s32 $0x380, s0;
	s26 =	smov.u32 s25  }
0xaa: {  	[hbm4b:s0+s4] =	stream.linear.scatter [tilespmem:s31], [sflag:$0x2], $0x80, $0x38;
	[tilespmem:$0x19800] =	vst v63  }
0xab: {  	s24 =	sadd.s32 $0x1, s24  }
0xac: {  	_ =	swait.ge [sflag:s23], $0x400;
	p0 =	sne.s32 s24, s11  }
.Ltmp2:
0xad: {  	[sflag:s23] =	ssyncset.done $0x0;
	(pc) =	sbr.rel @p0 .LBB2_1-.Ltmp2, $4  }
0xae: {  	[sflag:s23] =	ssyncadd.s32 $0xFFFFFC00  }
0xaf: {  	_ =	swait.ge [sflag:s23], $0x400  }
0xb0: {  	[sflag:s23] =	ssyncset.done $0x0  }
0xb1: {  	[sflag:s23] =	ssyncadd.s32 $0xFFFFFC00  }
0xb2: {  	_ =	sfence.sel $0x180000  }
0xb3: {  	[bflag:$0x0] =	sbarrier.arrive $0xFFFF  }
0xb4: {  	_ =	strace $0x90000047  }
0xb5: {  	s0 =	stileid.u32;
	[bflag:$0x2] =	sbarrier.arrive $0xFFFF  }
0xb6: {  	p0 =	sne.s32 s0, $0x0;
	s0 =	rddreg [dreg:$0x3]  }
0xb7: {  	s0 =	sadd.s32 @!p0 $0x100000, s0  }
0xb8: {  	[sflag:s0] =	ssyncadd.tile.s32 @!p0 $0x1;
	_ =	shalt  }
.Lfunc_end2:
_tile_overlayer_lowered:
.L_overlay_start_2:
0xb9: {  	(tag) =	ssettag $0x2  }
0xba: {  	s0 =	rddreg [dreg:$0x0];
	s2 =	stileid.u32  }
0xbb: {  	s1 =	rddreg [dreg:$0x1];
	p0 =	sne.s32 s2, $0x0  }
0xbc: {  	s3 =	rddreg [dreg:$0x2];
	[bflag:$0x3] =	sbarrier.arrive $0xFFFF;
	s2 =	simm.s32 @!p0 $0x1C03  }
0xbd: {  	[timem:s3], [sflag:s2] =	dma.local @!p0 [hbm:s0], s1  }
0xbe: {  	s0 =	simm.s32 @!p0 $0x3  }
0xbf: {  	_ =	swait.ge @!p0 [sflag:s0], s1  }
0xc0: {  	s1 =	ssub.s32 @!p0 $0x0, s1;
	[sflag:s0] =	ssyncset.done @!p0 $0x0  }
0xc1: {  	[sflag:s0] =	ssyncadd.s32 @!p0 s1  }
0xc2: {  	[bflag:$0x3] =	sbarrier.arrive $0xFFFF  }
0xc3: {  	_ =	shalt  }

</sc_bundles>
